<compile_context>
chip_gen: v7x
topology: tpu7x:2x2x1
jax: 0.10.2.dev20260603
libtpu: 0.0.44.dev20260713+nightly
codegen_flags: <defaults>
</compile_context>

<pallas_src>
import functools

import jax
import jax.numpy as jnp
from jax import lax
from jax.experimental import pallas as pl
from jax.experimental.pallas import tpu as pltpu
from jax.experimental.pallas import tpu_sc as plsc

GRID = 128
CELLS = GRID * GRID
C = 196
CP = 208
HALF = CP // 2
NPLANES = 3
NSUB = 16
PCHUNK = 64
LN = 1024


def _idx_body(consts_ref, x_ref, y_ref, z_ref, i0_ref, i1_ref, i2_ref):
    s0 = consts_ref[0]
    o0 = consts_ref[1]
    s1 = consts_ref[2]
    o1 = consts_ref[3]
    s2 = consts_ref[4]
    o2 = consts_ref[5]

    def cell(u):
        g = ((u * 0.5 + 0.5) * (GRID - 1)).astype(jnp.int32)
        return jnp.clip(g, 0, GRID - 1)

    gx = cell(x_ref[0, 0] * s0 + o0)
    gy = cell(y_ref[0, 0] * s1 + o1)
    gz = cell(z_ref[0, 0] * s2 + o2)
    i0_ref[0] = gx * GRID + gy
    i1_ref[0] = gx * GRID + gz
    i2_ref[0] = gy * GRID + gz


def _w_body(rmod, consts_ref, a_ref, *refs):
    f_refs = refs[:8]
    w_ref = refs[8]
    cg = pl.program_id(1)
    alpha = jax.nn.sigmoid(a_ref[0, 0])
    nrow, ln = alpha.shape
    n2 = (lax.broadcasted_iota(jnp.int32, (nrow, ln), 0) * ln
          + lax.broadcasted_iota(jnp.int32, (nrow, ln), 1))
    s0 = consts_ref[0]
    o0 = consts_ref[1]
    s1 = consts_ref[2]
    o1 = consts_ref[3]
    s2 = consts_ref[4]
    o2 = consts_ref[5]
    for i in range(8):
        c = cg * 8 + i
        v = f_refs[i][0, 0]
        q = lax.rem(n2 + rmod * c, C)
        v = jnp.where(q == 0, v * s0 + o0,
            jnp.where(q == 1, v * s1 + o1,
            jnp.where(q == 2, v * s2 + o2, v)))
        v = jnp.where(c < C, v * alpha,
            jnp.where(c == C, alpha, jnp.zeros_like(v)))
        w_ref[0, i] = v


def _post_body(a0_ref, a1_ref, out_ref):
    m0 = a0_ref[0]
    m1 = a1_ref[0]
    w = jnp.maximum(m1[:, C - HALF:C - HALF + 1], 1e-6)
    t0 = jnp.transpose(m0 / w)
    t1 = jnp.transpose(m1[:, 0:96] / w)[0:C - HALF, :]
    out_ref[0, 0] = jnp.concatenate([t0, t1], axis=0)


def _make_sc_scatter(nbatch, npts):
    pts_per_sub = npts // NSUB
    nchunks = pts_per_sub // PCHUNK
    rows_per_sub = CELLS // NSUB
    npairs = nchunks // 2
    mesh = plsc.VectorSubcoreMesh(core_axis_name="c", subcore_axis_name="s")

    @functools.partial(
        pl.kernel,
        mesh=mesh,
        compiler_params=pltpu.CompilerParams(use_tc_tiling_on_sc=False),
        out_type=jax.ShapeDtypeStruct((2, nbatch, NPLANES, CELLS, HALF),
                                      jnp.float32),
        scratch_types=[
            pltpu.VMEM_SHARED((CELLS, HALF), jnp.float32),
            pltpu.VMEM((nchunks, PCHUNK), jnp.int32),
            pltpu.VMEM((PCHUNK, HALF), jnp.float32),
            pltpu.VMEM((PCHUNK, HALF), jnp.float32),
            pltpu.SemaphoreType.DMA,
            pltpu.SemaphoreType.DMA,
            pltpu.SemaphoreType.DMA,
        ],
    )
    def sc_scatter(wt_hbm, i0_hbm, i1_hbm, i2_hbm, z_hbm, out_hbm, acc,
                   idxm, rowsa, rowsb, sema, semb, semi):
        cid = lax.axis_index("c")
        sid = lax.axis_index("s")
        r0 = sid * rows_per_sub
        pbase = sid * pts_per_sub

        def plane_round(p, idx_hbm):
            def load(k, rows, sem, b):
                base = pbase + k * PCHUNK
                pltpu.async_copy(wt_hbm.at[cid, b, pl.ds(base, PCHUNK), :],
                                 rows, sem)

            def drain(rows, sem, b):
                pltpu.make_async_copy(
                    wt_hbm.at[cid, b, pl.ds(pbase, PCHUNK), :],
                    rows, sem).wait()

            def round_body(b, carry):
                pltpu.async_copy(
                    idx_hbm.at[b, pl.ds(sid * nchunks, nchunks), :],
                    idxm, semi)
                pltpu.sync_copy(z_hbm.at[pl.ds(r0, rows_per_sub), :],
                                acc.at[pl.ds(r0, rows_per_sub), :])
                pltpu.make_async_copy(
                    idx_hbm.at[b, pl.ds(sid * nchunks, nchunks), :],
                    idxm, semi).wait()
                plsc.subcore_barrier()
                load(0, rowsa, sema, b)

                def pair(i, carry2):
                    load(2 * i + 1, rowsb, semb, b)
                    drain(rowsa, sema, b)
                    pltpu.sync_copy(rowsa, acc.at[idxm.at[2 * i]], add=True)

                    @pl.when(i + 1 < npairs)
                    def _():
                        load(2 * i + 2, rowsa, sema, b)

                    drain(rowsb, semb, b)
                    pltpu.sync_copy(rowsb, acc.at[idxm.at[2 * i + 1]],
                                    add=True)
                    return carry2

                lax.fori_loop(0, npairs, pair, 0)
                plsc.subcore_barrier()
                pltpu.sync_copy(
                    acc.at[pl.ds(r0, rows_per_sub), :],
                    out_hbm.at[cid, b, p, pl.ds(r0, rows_per_sub), :])
                return carry

            lax.fori_loop(0, nbatch, round_body, 0)

        plane_round(0, i0_hbm)
        plane_round(1, i1_hbm)
        plane_round(2, i2_hbm)

    return sc_scatter


def kernel(GS_feats, scene_bounds):
    nbatch, npts, nchan = GS_feats.shape
    nrow = npts // LN
    sb = scene_bounds.astype(jnp.float32)
    s0 = 2.0 / (sb[1] - sb[0])
    o0 = -2.0 * sb[0] / (sb[1] - sb[0]) - 1.0
    s1 = 2.0 / (sb[3] - sb[2])
    o1 = -2.0 * sb[2] / (sb[3] - sb[2]) - 1.0
    s2 = 2.0 / (sb[5] - sb[4])
    o2 = -2.0 * sb[4] / (sb[5] - sb[4]) - 1.0
    consts = jnp.stack([s0, o0, s1, o1, s2, o2,
                        jnp.float32(0.0), jnp.float32(0.0)])

    p43 = jnp.transpose(GS_feats[:, :, 0:4], (0, 2, 1)).reshape(
        nbatch, 4, nrow, LN)
    flat3 = GS_feats.reshape(nbatch, (npts * nchan) // LN, LN)

    NB = 8
    nbr = nrow // NB
    i0, i1, i2 = pl.pallas_call(
        _idx_body,
        grid=(nbatch, nbr),
        in_specs=[
            pl.BlockSpec(memory_space=pltpu.SMEM),
            pl.BlockSpec((1, 1, NB, LN), lambda b, n: (b, 0, n, 0)),
            pl.BlockSpec((1, 1, NB, LN), lambda b, n: (b, 1, n, 0)),
            pl.BlockSpec((1, 1, NB, LN), lambda b, n: (b, 2, n, 0)),
        ],
        out_specs=[
            pl.BlockSpec((1, NB, LN), lambda b, n: (b, n, 0)),
            pl.BlockSpec((1, NB, LN), lambda b, n: (b, n, 0)),
            pl.BlockSpec((1, NB, LN), lambda b, n: (b, n, 0)),
        ],
        out_shape=[
            jax.ShapeDtypeStruct((nbatch, nrow, LN), jnp.int32),
            jax.ShapeDtypeStruct((nbatch, nrow, LN), jnp.int32),
            jax.ShapeDtypeStruct((nbatch, nrow, LN), jnp.int32),
        ],
    )(consts, p43, p43, p43)

    ngroups = CP // 8
    flat4 = flat3.reshape(nbatch, nchan, nrow, LN)
    wpad = pl.pallas_call(
        functools.partial(_w_body, npts % nchan),
        grid=(nbatch, ngroups),
        in_specs=[
            pl.BlockSpec(memory_space=pltpu.SMEM),
            pl.BlockSpec((1, 1, nrow, LN), lambda b, g: (b, 3, 0, 0)),
        ] + [
            pl.BlockSpec((1, 1, nrow, LN),
                         functools.partial(
                             lambda b, g, i=0:
                             (b, jnp.minimum(g * 8 + i, C - 1), 0, 0),
                             i=i))
            for i in range(8)
        ],
        out_specs=pl.BlockSpec((1, 8, nrow, LN), lambda b, g: (b, g, 0, 0)),
        out_shape=jax.ShapeDtypeStruct((nbatch, CP, nrow, LN), jnp.float32),
    )(consts, p43, *([flat4] * 8))

    wt = jnp.transpose(
        wpad.reshape(nbatch, 2, HALF, nrow, LN),
        (1, 0, 3, 4, 2)).reshape(2, nbatch, npts, HALF)
    zeros = jnp.zeros((CELLS, HALF), jnp.float32)
    i0f = i0.reshape(nbatch, npts // PCHUNK, PCHUNK)
    i1f = i1.reshape(nbatch, npts // PCHUNK, PCHUNK)
    i2f = i2.reshape(nbatch, npts // PCHUNK, PCHUNK)

    accs = _make_sc_scatter(nbatch, npts)(wt, i0f, i1f, i2f, zeros)

    Bc = 1024
    nr = nbatch * NPLANES
    a0 = accs[0].reshape(nr, CELLS, HALF)
    a1 = accs[1].reshape(nr, CELLS, HALF)
    out = pl.pallas_call(
        _post_body,
        grid=(nr, CELLS // Bc),
        in_specs=[
            pl.BlockSpec((1, Bc, HALF), lambda r, c2: (r, c2, 0)),
            pl.BlockSpec((1, Bc, HALF), lambda r, c2: (r, c2, 0)),
        ],
        out_specs=pl.BlockSpec((1, 1, C, Bc), lambda r, c2: (r, 0, 0, c2)),
        out_shape=jax.ShapeDtypeStruct((nr, 1, C, CELLS), jnp.float32),
    )(a0, a1)

    return out.reshape(nbatch, NPLANES, C, GRID, GRID)

# --- scband reference (transcript-rebuilt; emitter-appended) ---
"""Pipeline reference for scband-point-triplane-generator-15144054686231 (READ-ONLY COPY).

The authoritative reference and input builder live on the scoring server;
editing this copy changes nothing except your own understanding.
"""

import jax, jax.numpy as jnp
import numpy as np

GRID_SIZE = 128


def _norm_points_bounds(wp, sb):
    nx = 2.0 * (wp[:, 0] - sb[0]) / (sb[1] - sb[0]) - 1.0
    ny = 2.0 * (wp[:, 1] - sb[2]) / (sb[3] - sb[2]) - 1.0
    nz = 2.0 * (wp[:, 2] - sb[4]) / (sb[5] - sb[4]) - 1.0
    return jnp.concatenate([nx[:, None], ny[:, None], nz[:, None], wp[:, 3:]], axis=-1)


def _project_points_to_planes(bounded, grid_size):
    N, C = bounded.shape
    coords = bounded[:, :3]
    alpha = jax.nn.sigmoid(bounded[:, 3])
    # NOTE: torch code does features.view(C, N) which is a raw reshape, NOT a transpose;
    # we faithfully replicate that with jnp.reshape.
    flat_features = bounded.reshape(C, N)
    planes = []
    for plane in ['xy', 'xz', 'yz']:
        if plane == 'xy':
            pc = coords[:, 0:2]
        elif plane == 'xz':
            pc = jnp.stack([coords[:, 0], coords[:, 2]], axis=1)
        else:
            pc = coords[:, 1:3]
        gc = (pc * 0.5 + 0.5) * (grid_size - 1)
        gc = jnp.clip(gc.astype(jnp.int32), 0, grid_size - 1)  # .long() truncates toward zero, then clamp
        idx = gc[:, 0] * grid_size + gc[:, 1]
        weighted = flat_features * alpha[None, :]
        plane_sum = jnp.zeros((C, grid_size * grid_size), dtype=jnp.float32).at[:, idx].add(weighted)
        wsum = jnp.zeros((grid_size * grid_size,), dtype=jnp.float32).at[idx].add(alpha)
        wsum = jnp.clip(wsum, 1e-06, None)
        planes.append((plane_sum / wsum[None, :]).reshape(C, grid_size, grid_size))
    return planes


def setup_inputs(seed: int = 0) -> dict:
    key = jax.random.key(seed)
    GS_feats = jax.random.normal(key, (4, 65536, 196), dtype=jnp.float32)
    scene_bounds = jnp.arange(6, dtype=jnp.float32)
    return {"GS_feats": GS_feats, "scene_bounds": scene_bounds}


def reference(GS_feats, scene_bounds):
    B, N, C = GS_feats.shape
    outs = []
    for b in range(B):
        bounded = _norm_points_bounds(GS_feats[b], scene_bounds)
        xy, xz, yz = _project_points_to_planes(bounded, GRID_SIZE)
        outs.append(jnp.stack([xy, xz, yz], axis=0))
    return jnp.stack(outs, axis=0)

if __name__ == "__main__":
    import jax
    _d = setup_inputs()
    print(jax.jit(kernel)(*tuple(_d.values())))

</pallas_src>

<mosaic_0001>
#map = affine_map<(d0, d1) -> (0, 0, 0, 0)>
#map1 = affine_map<(d0, d1) -> (0, 0, 0)>
#map2 = affine_map<(d0, d1) -> (0, 0)>
#map3 = affine_map<(d0, d1) -> (0, 0, 0, 0, 0)>
module attributes {stable_mosaic.version = 14 : i64} {
  func.func @sc_scatter(%arg0: i32, %arg1: i32, %arg2: memref<2x4x65536x104xf32, #tpu.memory_space<hbm>>, %arg3: memref<4x1024x64xi32, #tpu.memory_space<hbm>>, %arg4: memref<4x1024x64xi32, #tpu.memory_space<hbm>>, %arg5: memref<4x1024x64xi32, #tpu.memory_space<hbm>>, %arg6: memref<16384x104xf32, #tpu.memory_space<hbm>>, %arg7: memref<2x4x3x16384x104xf32, #tpu.memory_space<hbm>>, %arg8: memref<16384x104xf32, #tpu.memory_space<vmem_shared>>, %arg9: memref<64x64xi32, #tpu.memory_space<vmem>>, %arg10: memref<64x104xf32, #tpu.memory_space<vmem>>, %arg11: memref<64x104xf32, #tpu.memory_space<vmem>>, %arg12: memref<!tpu.dma_semaphore, #tpu.memory_space<semaphore_mem>>, %arg13: memref<!tpu.dma_semaphore, #tpu.memory_space<semaphore_mem>>, %arg14: memref<!tpu.dma_semaphore, #tpu.memory_space<semaphore_mem>>) attributes {dimension_semantics = [#tpu.dimension_semantics<core_parallel>, #tpu.dimension_semantics<subcore_parallel>], iteration_bounds = array<i64: 2, 16>, scalar_prefetch = 0 : i64, scratch_operands = 7 : i64, tpu.core_type = #tpu.core_type<sc_vector_subcore>, window_params = [{transform_indices = #map}, {transform_indices = #map1}, {transform_indices = #map1}, {transform_indices = #map1}, {transform_indices = #map2}, {transform_indices = #map3}]} {
    %mul3A = arith.constant 1024 : i32
    %mul3A_0 = arith.muli %arg1, %mul3A : i32
    %mul3A_1 = arith.constant 4096 : i32
    %mul3A_2 = arith.muli %arg1, %mul3A_1 : i32
    %scan3A = arith.constant 0 : i32
    %scan3A_3 = arith.constant 0 : i32
    %scan3A_4 = arith.constant 4 : i32
    %scan3A_5 = arith.addi %scan3A_3, %scan3A_4 : i32
    %scan3A_6 = arith.constant 1 : i32
    scf.for %scan3A_20 = %scan3A_3 to %scan3A_5 step %scan3A_6  : i32 {
      %mul3A_21 = arith.constant 64 : i32
      %mul3A_22 = arith.muli %arg1, %mul3A_21 : i32
      %dma_start3A = arith.constant 0 : i32
      %dma_start3A_23 = tpu.memref_slice %arg3[%scan3A_20, %mul3A_22, %dma_start3A] : memref<4x1024x64xi32, #tpu.memory_space<hbm>> -> memref<1x64x64xi32, #tpu.memory_space<hbm>>
      %dma_start3A_24 = tpu.memref_squeeze %dma_start3A_23 : memref<1x64x64xi32, #tpu.memory_space<hbm>> -> memref<64x64xi32, #tpu.memory_space<hbm>>
      %dma_start3A_25 = arith.constant 0 : i32
      %dma_start3A_26 = tpu.memref_slice %arg3[%scan3A_20, %mul3A_22, %dma_start3A_25] : memref<4x1024x64xi32, #tpu.memory_space<hbm>> -> memref<1x64x64xi32, #tpu.memory_space<hbm>>
      %dma_start3A_27 = tpu.memref_squeeze %dma_start3A_26 : memref<1x64x64xi32, #tpu.memory_space<hbm>> -> memref<64x64xi32, #tpu.memory_space<hbm>>
      tpu.enqueue_dma source(%dma_start3A_27 : memref<64x64xi32, #tpu.memory_space<hbm>>) target(%arg9 : memref<64x64xi32, #tpu.memory_space<vmem>>) target_semaphore(%arg14 : memref<!tpu.dma_semaphore, #tpu.memory_space<semaphore_mem>>)
      "tpu.region"() ({
        %run_scoped3A_49 = tpu.sem_alloc : memref<!tpu.dma_semaphore, #tpu.memory_space<semaphore_mem>>
        %dma_start3A_50 = arith.constant 0 : i32
        %dma_start3A_51 = tpu.memref_slice %arg8[%mul3A_0, %dma_start3A_50] : memref<16384x104xf32, #tpu.memory_space<vmem_shared>> -> memref<1024x104xf32, #tpu.memory_space<vmem_shared>>
        %dma_start3A_52 = arith.constant 0 : i32
        %dma_start3A_53 = tpu.memref_slice %arg6[%mul3A_0, %dma_start3A_52] : memref<16384x104xf32, #tpu.memory_space<hbm>> -> memref<1024x104xf32, #tpu.memory_space<hbm>>
        tpu.enqueue_dma source(%dma_start3A_53 : memref<1024x104xf32, #tpu.memory_space<hbm>>) target(%dma_start3A_51 : memref<1024x104xf32, #tpu.memory_space<vmem_shared>>) target_semaphore(%run_scoped3A_49 : memref<!tpu.dma_semaphore, #tpu.memory_space<semaphore_mem>>)
        %dma_wait3A_54 = arith.constant 0 : i32
        %dma_wait3A_55 = tpu.memref_slice %arg8[%mul3A_0, %dma_wait3A_54] : memref<16384x104xf32, #tpu.memory_space<vmem_shared>> -> memref<1024x104xf32, #tpu.memory_space<vmem_shared>>
        %dma_wait3A_56 = arith.constant 0 : i32
        %dma_wait3A_57 = tpu.memref_slice %arg6[%mul3A_0, %dma_wait3A_56] : memref<16384x104xf32, #tpu.memory_space<hbm>> -> memref<1024x104xf32, #tpu.memory_space<hbm>>
        tpu.wait_dma2 semaphore(%run_scoped3A_49 : memref<!tpu.dma_semaphore, #tpu.memory_space<semaphore_mem>>) src(%dma_wait3A_57 : memref<1024x104xf32, #tpu.memory_space<hbm>>) dst(%dma_wait3A_55 : memref<1024x104xf32, #tpu.memory_space<vmem_shared>>)
        tpu.yield
      }) : () -> ()
      %mul3A_28 = arith.constant 64 : i32
      %mul3A_29 = arith.muli %arg1, %mul3A_28 : i32
      %dma_wait3A = arith.constant 0 : i32
      %dma_wait3A_30 = tpu.memref_slice %arg3[%scan3A_20, %mul3A_29, %dma_wait3A] : memref<4x1024x64xi32, #tpu.memory_space<hbm>> -> memref<1x64x64xi32, #tpu.memory_space<hbm>>
      %dma_wait3A_31 = tpu.memref_squeeze %dma_wait3A_30 : memref<1x64x64xi32, #tpu.memory_space<hbm>> -> memref<64x64xi32, #tpu.memory_space<hbm>>
      %dma_wait3A_32 = arith.constant 0 : i32
      %dma_wait3A_33 = tpu.memref_slice %arg3[%scan3A_20, %mul3A_29, %dma_wait3A_32] : memref<4x1024x64xi32, #tpu.memory_space<hbm>> -> memref<1x64x64xi32, #tpu.memory_space<hbm>>
      %dma_wait3A_34 = tpu.memref_squeeze %dma_wait3A_33 : memref<1x64x64xi32, #tpu.memory_space<hbm>> -> memref<64x64xi32, #tpu.memory_space<hbm>>
      tpu.wait_dma2 semaphore(%arg14 : memref<!tpu.dma_semaphore, #tpu.memory_space<semaphore_mem>>) src(%dma_wait3A_34 : memref<64x64xi32, #tpu.memory_space<hbm>>) dst(%arg9 : memref<64x64xi32, #tpu.memory_space<vmem>>)
      %barrier3A = arith.constant 0 : index
      tpu.barrier barrier_id(%barrier3A)
      %add3A = arith.constant 0 : i32
      %add3A_35 = arith.addi %mul3A_2, %add3A : i32
      %dma_start3A_36 = arith.constant 0 : i32
      %dma_start3A_37 = tpu.memref_slice %arg2[%arg0, %scan3A_20, %add3A_35, %dma_start3A_36] : memref<2x4x65536x104xf32, #tpu.memory_space<hbm>> -> memref<1x1x64x104xf32, #tpu.memory_space<hbm>>
      %dma_start3A_38 = tpu.memref_squeeze %dma_start3A_37 : memref<1x1x64x104xf32, #tpu.memory_space<hbm>> -> memref<64x104xf32, #tpu.memory_space<hbm>>
      %dma_start3A_39 = arith.constant 0 : i32
      %dma_start3A_40 = tpu.memref_slice %arg2[%arg0, %scan3A_20, %add3A_35, %dma_start3A_39] : memref<2x4x65536x104xf32, #tpu.memory_space<hbm>> -> memref<1x1x64x104xf32, #tpu.memory_space<hbm>>
      %dma_start3A_41 = tpu.memref_squeeze %dma_start3A_40 : memref<1x1x64x104xf32, #tpu.memory_space<hbm>> -> memref<64x104xf32, #tpu.memory_space<hbm>>
      tpu.enqueue_dma source(%dma_start3A_41 : memref<64x104xf32, #tpu.memory_space<hbm>>) target(%arg10 : memref<64x104xf32, #tpu.memory_space<vmem>>) target_semaphore(%arg12 : memref<!tpu.dma_semaphore, #tpu.memory_space<semaphore_mem>>)
      %scan3A_42 = arith.constant 0 : i32
      %scan3A_43 = arith.constant 0 : i32
      %scan3A_44 = arith.constant 32 : i32
      %scan3A_45 = arith.addi %scan3A_43, %scan3A_44 : i32
      %scan3A_46 = arith.constant 1 : i32
      scf.for %scan3A_49 = %scan3A_43 to %scan3A_45 step %scan3A_46  : i32 {
        %mul3A_50 = arith.constant 2 : i32
        %mul3A_51 = arith.muli %mul3A_50, %scan3A_49 : i32
        %add3A_52 = arith.constant 1 : i32
        %add3A_53 = arith.addi %mul3A_51, %add3A_52 : i32
        %mul3A_54 = arith.constant 64 : i32
        %mul3A_55 = arith.muli %add3A_53, %mul3A_54 : i32
        %add3A_56 = arith.addi %mul3A_2, %mul3A_55 : i32
        %dma_start3A_57 = arith.constant 0 : i32
        %dma_start3A_58 = tpu.memref_slice %arg2[%arg0, %scan3A_20, %add3A_56, %dma_start3A_57] : memref<2x4x65536x104xf32, #tpu.memory_space<hbm>> -> memref<1x1x64x104xf32, #tpu.memory_space<hbm>>
        %dma_start3A_59 = tpu.memref_squeeze %dma_start3A_58 : memref<1x1x64x104xf32, #tpu.memory_space<hbm>> -> memref<64x104xf32, #tpu.memory_space<hbm>>
        %dma_start3A_60 = arith.constant 0 : i32
        %dma_start3A_61 = tpu.memref_slice %arg2[%arg0, %scan3A_20, %add3A_56, %dma_start3A_60] : memref<2x4x65536x104xf32, #tpu.memory_space<hbm>> -> memref<1x1x64x104xf32, #tpu.memory_space<hbm>>
        %dma_start3A_62 = tpu.memref_squeeze %dma_start3A_61 : memref<1x1x64x104xf32, #tpu.memory_space<hbm>> -> memref<64x104xf32, #tpu.memory_space<hbm>>
        tpu.enqueue_dma source(%dma_start3A_62 : memref<64x104xf32, #tpu.memory_space<hbm>>) target(%arg11 : memref<64x104xf32, #tpu.memory_space<vmem>>) target_semaphore(%arg13 : memref<!tpu.dma_semaphore, #tpu.memory_space<semaphore_mem>>)
        %dma_wait3A_63 = arith.constant 0 : i32
        %dma_wait3A_64 = tpu.memref_slice %arg2[%arg0, %scan3A_20, %mul3A_2, %dma_wait3A_63] : memref<2x4x65536x104xf32, #tpu.memory_space<hbm>> -> memref<1x1x64x104xf32, #tpu.memory_space<hbm>>
        %dma_wait3A_65 = tpu.memref_squeeze %dma_wait3A_64 : memref<1x1x64x104xf32, #tpu.memory_space<hbm>> -> memref<64x104xf32, #tpu.memory_space<hbm>>
        %dma_wait3A_66 = arith.constant 0 : i32
        %dma_wait3A_67 = tpu.memref_slice %arg2[%arg0, %scan3A_20, %mul3A_2, %dma_wait3A_66] : memref<2x4x65536x104xf32, #tpu.memory_space<hbm>> -> memref<1x1x64x104xf32, #tpu.memory_space<hbm>>
        %dma_wait3A_68 = tpu.memref_squeeze %dma_wait3A_67 : memref<1x1x64x104xf32, #tpu.memory_space<hbm>> -> memref<64x104xf32, #tpu.memory_space<hbm>>
        tpu.wait_dma2 semaphore(%arg12 : memref<!tpu.dma_semaphore, #tpu.memory_space<semaphore_mem>>) src(%dma_wait3A_68 : memref<64x104xf32, #tpu.memory_space<hbm>>) dst(%arg10 : memref<64x104xf32, #tpu.memory_space<vmem>>)
        %mul3A_69 = arith.constant 2 : i32
        %mul3A_70 = arith.muli %mul3A_69, %scan3A_49 : i32
        "tpu.region"() ({
          %run_scoped3A_85 = tpu.sem_alloc : memref<!tpu.dma_semaphore, #tpu.memory_space<semaphore_mem>>
          %dma_start3A_86 = arith.constant 0 : i32
          %dma_start3A_87 = tpu.memref_slice %arg9[%mul3A_70, %dma_start3A_86] : memref<64x64xi32, #tpu.memory_space<vmem>> -> memref<1x64xi32, #tpu.memory_space<vmem>>
          %dma_start3A_88 = tpu.memref_squeeze %dma_start3A_87 : memref<1x64xi32, #tpu.memory_space<vmem>> -> memref<64xi32, #tpu.memory_space<vmem>>
          %dma_start3A_89 = arith.constant 0 : i32
          %dma_start3A_90 = arith.constant 0 : i32
          %dma_start3A_91 = tpu.memref_slice %arg8[%dma_start3A_89, %dma_start3A_90] : memref<16384x104xf32, #tpu.memory_space<vmem_shared>> -> memref<16384x104xf32, #tpu.memory_space<vmem_shared>>
          tpu.enqueue_indirect_dma source(%arg10 : memref<64x104xf32, #tpu.memory_space<vmem>>) target(%dma_start3A_91 : memref<16384x104xf32, #tpu.memory_space<vmem_shared>>) offsets(%dma_start3A_88 : memref<64xi32, #tpu.memory_space<vmem>>) semaphore(%run_scoped3A_85 : memref<!tpu.dma_semaphore, #tpu.memory_space<semaphore_mem>>) {add = true}
          %dma_wait3A_92 = arith.constant 0 : i32
          %dma_wait3A_93 = tpu.memref_slice %arg9[%mul3A_70, %dma_wait3A_92] : memref<64x64xi32, #tpu.memory_space<vmem>> -> memref<1x64xi32, #tpu.memory_space<vmem>>
          %dma_wait3A_94 = tpu.memref_squeeze %dma_wait3A_93 : memref<1x64xi32, #tpu.memory_space<vmem>> -> memref<64xi32, #tpu.memory_space<vmem>>
          %dma_wait3A_95 = arith.constant 0 : i32
          %dma_wait3A_96 = arith.constant 0 : i32
          %dma_wait3A_97 = tpu.memref_slice %arg8[%dma_wait3A_95, %dma_wait3A_96] : memref<16384x104xf32, #tpu.memory_space<vmem_shared>> -> memref<16384x104xf32, #tpu.memory_space<vmem_shared>>
          tpu.wait_indirect_dma semaphore(%run_scoped3A_85 : memref<!tpu.dma_semaphore, #tpu.memory_space<semaphore_mem>>) src(%arg10 : memref<64x104xf32, #tpu.memory_space<vmem>>) dst(%dma_wait3A_97 : memref<16384x104xf32, #tpu.memory_space<vmem_shared>>)
          tpu.yield
        }) : () -> ()
        %add3A_71 = arith.constant 1 : i32
        %add3A_72 = arith.addi %scan3A_49, %add3A_71 : i32
        %lt3A = arith.constant 32 : i32
        %lt3A_73 = arith.cmpi slt, %add3A_72, %lt3A : i32
        %convert_element_type3A = arith.extui %lt3A_73 : i1 to i32
        %cond3A = arith.constant 0 : i32
        %cond3A_74 = arith.cmpi ne, %convert_element_type3A, %cond3A : i32
        scf.if %cond3A_74 {
          %mul3A_85 = arith.constant 2 : i32
          %mul3A_86 = arith.muli %mul3A_85, %scan3A_49 : i32
          %add3A_87 = arith.constant 2 : i32
          %add3A_88 = arith.addi %mul3A_86, %add3A_87 : i32
          %mul3A_89 = arith.constant 64 : i32
          %mul3A_90 = arith.muli %add3A_88, %mul3A_89 : i32
          %add3A_91 = arith.addi %mul3A_2, %mul3A_90 : i32
          %dma_start3A_92 = arith.constant 0 : i32
          %dma_start3A_93 = tpu.memref_slice %arg2[%arg0, %scan3A_20, %add3A_91, %dma_start3A_92] : memref<2x4x65536x104xf32, #tpu.memory_space<hbm>> -> memref<1x1x64x104xf32, #tpu.memory_space<hbm>>
          %dma_start3A_94 = tpu.memref_squeeze %dma_start3A_93 : memref<1x1x64x104xf32, #tpu.memory_space<hbm>> -> memref<64x104xf32, #tpu.memory_space<hbm>>
          %dma_start3A_95 = arith.constant 0 : i32
          %dma_start3A_96 = tpu.memref_slice %arg2[%arg0, %scan3A_20, %add3A_91, %dma_start3A_95] : memref<2x4x65536x104xf32, #tpu.memory_space<hbm>> -> memref<1x1x64x104xf32, #tpu.memory_space<hbm>>
          %dma_start3A_97 = tpu.memref_squeeze %dma_start3A_96 : memref<1x1x64x104xf32, #tpu.memory_space<hbm>> -> memref<64x104xf32, #tpu.memory_space<hbm>>
          tpu.enqueue_dma source(%dma_start3A_97 : memref<64x104xf32, #tpu.memory_space<hbm>>) target(%arg10 : memref<64x104xf32, #tpu.memory_space<vmem>>) target_semaphore(%arg12 : memref<!tpu.dma_semaphore, #tpu.memory_space<semaphore_mem>>)
        } else {
        }
        %dma_wait3A_75 = arith.constant 0 : i32
        %dma_wait3A_76 = tpu.memref_slice %arg2[%arg0, %scan3A_20, %mul3A_2, %dma_wait3A_75] : memref<2x4x65536x104xf32, #tpu.memory_space<hbm>> -> memref<1x1x64x104xf32, #tpu.memory_space<hbm>>
        %dma_wait3A_77 = tpu.memref_squeeze %dma_wait3A_76 : memref<1x1x64x104xf32, #tpu.memory_space<hbm>> -> memref<64x104xf32, #tpu.memory_space<hbm>>
        %dma_wait3A_78 = arith.constant 0 : i32
        %dma_wait3A_79 = tpu.memref_slice %arg2[%arg0, %scan3A_20, %mul3A_2, %dma_wait3A_78] : memref<2x4x65536x104xf32, #tpu.memory_space<hbm>> -> memref<1x1x64x104xf32, #tpu.memory_space<hbm>>
        %dma_wait3A_80 = tpu.memref_squeeze %dma_wait3A_79 : memref<1x1x64x104xf32, #tpu.memory_space<hbm>> -> memref<64x104xf32, #tpu.memory_space<hbm>>
        tpu.wait_dma2 semaphore(%arg13 : memref<!tpu.dma_semaphore, #tpu.memory_space<semaphore_mem>>) src(%dma_wait3A_80 : memref<64x104xf32, #tpu.memory_space<hbm>>) dst(%arg11 : memref<64x104xf32, #tpu.memory_space<vmem>>)
        %mul3A_81 = arith.constant 2 : i32
        %mul3A_82 = arith.muli %mul3A_81, %scan3A_49 : i32
        %add3A_83 = arith.constant 1 : i32
        %add3A_84 = arith.addi %mul3A_82, %add3A_83 : i32
        "tpu.region"() ({
          %run_scoped3A_85 = tpu.sem_alloc : memref<!tpu.dma_semaphore, #tpu.memory_space<semaphore_mem>>
          %dma_start3A_86 = arith.constant 0 : i32
          %dma_start3A_87 = tpu.memref_slice %arg9[%add3A_84, %dma_start3A_86] : memref<64x64xi32, #tpu.memory_space<vmem>> -> memref<1x64xi32, #tpu.memory_space<vmem>>
          %dma_start3A_88 = tpu.memref_squeeze %dma_start3A_87 : memref<1x64xi32, #tpu.memory_space<vmem>> -> memref<64xi32, #tpu.memory_space<vmem>>
          %dma_start3A_89 = arith.constant 0 : i32
          %dma_start3A_90 = arith.constant 0 : i32
          %dma_start3A_91 = tpu.memref_slice %arg8[%dma_start3A_89, %dma_start3A_90] : memref<16384x104xf32, #tpu.memory_space<vmem_shared>> -> memref<16384x104xf32, #tpu.memory_space<vmem_shared>>
          tpu.enqueue_indirect_dma source(%arg11 : memref<64x104xf32, #tpu.memory_space<vmem>>) target(%dma_start3A_91 : memref<16384x104xf32, #tpu.memory_space<vmem_shared>>) offsets(%dma_start3A_88 : memref<64xi32, #tpu.memory_space<vmem>>) semaphore(%run_scoped3A_85 : memref<!tpu.dma_semaphore, #tpu.memory_space<semaphore_mem>>) {add = true}
          %dma_wait3A_92 = arith.constant 0 : i32
          %dma_wait3A_93 = tpu.memref_slice %arg9[%add3A_84, %dma_wait3A_92] : memref<64x64xi32, #tpu.memory_space<vmem>> -> memref<1x64xi32, #tpu.memory_space<vmem>>
          %dma_wait3A_94 = tpu.memref_squeeze %dma_wait3A_93 : memref<1x64xi32, #tpu.memory_space<vmem>> -> memref<64xi32, #tpu.memory_space<vmem>>
          %dma_wait3A_95 = arith.constant 0 : i32
          %dma_wait3A_96 = arith.constant 0 : i32
          %dma_wait3A_97 = tpu.memref_slice %arg8[%dma_wait3A_95, %dma_wait3A_96] : memref<16384x104xf32, #tpu.memory_space<vmem_shared>> -> memref<16384x104xf32, #tpu.memory_space<vmem_shared>>
          tpu.wait_indirect_dma semaphore(%run_scoped3A_85 : memref<!tpu.dma_semaphore, #tpu.memory_space<semaphore_mem>>) src(%arg11 : memref<64x104xf32, #tpu.memory_space<vmem>>) dst(%dma_wait3A_97 : memref<16384x104xf32, #tpu.memory_space<vmem_shared>>)
          tpu.yield
        }) : () -> ()
      }
      %scan3A_47 = arith.constant 32 : i32
      %barrier3A_48 = arith.constant 0 : index
      tpu.barrier barrier_id(%barrier3A_48)
      %run_scoped3A = arith.constant 0 : i32
      "tpu.region"() ({
        %run_scoped3A_49 = tpu.sem_alloc : memref<!tpu.dma_semaphore, #tpu.memory_space<semaphore_mem>>
        %dma_start3A_50 = arith.constant 0 : i32
        %dma_start3A_51 = tpu.memref_slice %arg7[%arg0, %scan3A_20, %run_scoped3A, %mul3A_0, %dma_start3A_50] : memref<2x4x3x16384x104xf32, #tpu.memory_space<hbm>> -> memref<1x1x1x1024x104xf32, #tpu.memory_space<hbm>>
        %dma_start3A_52 = tpu.memref_squeeze %dma_start3A_51 : memref<1x1x1x1024x104xf32, #tpu.memory_space<hbm>> -> memref<1024x104xf32, #tpu.memory_space<hbm>>
        %dma_start3A_53 = arith.constant 0 : i32
        %dma_start3A_54 = tpu.memref_slice %arg8[%mul3A_0, %dma_start3A_53] : memref<16384x104xf32, #tpu.memory_space<vmem_shared>> -> memref<1024x104xf32, #tpu.memory_space<vmem_shared>>
        tpu.enqueue_dma source(%dma_start3A_54 : memref<1024x104xf32, #tpu.memory_space<vmem_shared>>) target(%dma_start3A_52 : memref<1024x104xf32, #tpu.memory_space<hbm>>) target_semaphore(%run_scoped3A_49 : memref<!tpu.dma_semaphore, #tpu.memory_space<semaphore_mem>>)
        %dma_wait3A_55 = arith.constant 0 : i32
        %dma_wait3A_56 = tpu.memref_slice %arg7[%arg0, %scan3A_20, %run_scoped3A, %mul3A_0, %dma_wait3A_55] : memref<2x4x3x16384x104xf32, #tpu.memory_space<hbm>> -> memref<1x1x1x1024x104xf32, #tpu.memory_space<hbm>>
        %dma_wait3A_57 = tpu.memref_squeeze %dma_wait3A_56 : memref<1x1x1x1024x104xf32, #tpu.memory_space<hbm>> -> memref<1024x104xf32, #tpu.memory_space<hbm>>
        %dma_wait3A_58 = arith.constant 0 : i32
        %dma_wait3A_59 = tpu.memref_slice %arg8[%mul3A_0, %dma_wait3A_58] : memref<16384x104xf32, #tpu.memory_space<vmem_shared>> -> memref<1024x104xf32, #tpu.memory_space<vmem_shared>>
        tpu.wait_dma2 semaphore(%run_scoped3A_49 : memref<!tpu.dma_semaphore, #tpu.memory_space<semaphore_mem>>) src(%dma_wait3A_59 : memref<1024x104xf32, #tpu.memory_space<vmem_shared>>) dst(%dma_wait3A_57 : memref<1024x104xf32, #tpu.memory_space<hbm>>)
        tpu.yield
      }) : () -> ()
    }
    %scan3A_7 = arith.constant 4 : i32
    %scan3A_8 = arith.constant 0 : i32
    %scan3A_9 = arith.constant 0 : i32
    %scan3A_10 = arith.constant 4 : i32
    %scan3A_11 = arith.addi %scan3A_9, %scan3A_10 : i32
    %scan3A_12 = arith.constant 1 : i32
    scf.for %scan3A_20 = %scan3A_9 to %scan3A_11 step %scan3A_12  : i32 {
      %mul3A_21 = arith.constant 64 : i32
      %mul3A_22 = arith.muli %arg1, %mul3A_21 : i32
      %dma_start3A = arith.constant 0 : i32
      %dma_start3A_23 = tpu.memref_slice %arg4[%scan3A_20, %mul3A_22, %dma_start3A] : memref<4x1024x64xi32, #tpu.memory_space<hbm>> -> memref<1x64x64xi32, #tpu.memory_space<hbm>>
      %dma_start3A_24 = tpu.memref_squeeze %dma_start3A_23 : memref<1x64x64xi32, #tpu.memory_space<hbm>> -> memref<64x64xi32, #tpu.memory_space<hbm>>
      %dma_start3A_25 = arith.constant 0 : i32
      %dma_start3A_26 = tpu.memref_slice %arg4[%scan3A_20, %mul3A_22, %dma_start3A_25] : memref<4x1024x64xi32, #tpu.memory_space<hbm>> -> memref<1x64x64xi32, #tpu.memory_space<hbm>>
      %dma_start3A_27 = tpu.memref_squeeze %dma_start3A_26 : memref<1x64x64xi32, #tpu.memory_space<hbm>> -> memref<64x64xi32, #tpu.memory_space<hbm>>
      tpu.enqueue_dma source(%dma_start3A_27 : memref<64x64xi32, #tpu.memory_space<hbm>>) target(%arg9 : memref<64x64xi32, #tpu.memory_space<vmem>>) target_semaphore(%arg14 : memref<!tpu.dma_semaphore, #tpu.memory_space<semaphore_mem>>)
      "tpu.region"() ({
        %run_scoped3A_49 = tpu.sem_alloc : memref<!tpu.dma_semaphore, #tpu.memory_space<semaphore_mem>>
        %dma_start3A_50 = arith.constant 0 : i32
        %dma_start3A_51 = tpu.memref_slice %arg8[%mul3A_0, %dma_start3A_50] : memref<16384x104xf32, #tpu.memory_space<vmem_shared>> -> memref<1024x104xf32, #tpu.memory_space<vmem_shared>>
        %dma_start3A_52 = arith.constant 0 : i32
        %dma_start3A_53 = tpu.memref_slice %arg6[%mul3A_0, %dma_start3A_52] : memref<16384x104xf32, #tpu.memory_space<hbm>> -> memref<1024x104xf32, #tpu.memory_space<hbm>>
        tpu.enqueue_dma source(%dma_start3A_53 : memref<1024x104xf32, #tpu.memory_space<hbm>>) target(%dma_start3A_51 : memref<1024x104xf32, #tpu.memory_space<vmem_shared>>) target_semaphore(%run_scoped3A_49 : memref<!tpu.dma_semaphore, #tpu.memory_space<semaphore_mem>>)
        %dma_wait3A_54 = arith.constant 0 : i32
        %dma_wait3A_55 = tpu.memref_slice %arg8[%mul3A_0, %dma_wait3A_54] : memref<16384x104xf32, #tpu.memory_space<vmem_shared>> -> memref<1024x104xf32, #tpu.memory_space<vmem_shared>>
        %dma_wait3A_56 = arith.constant 0 : i32
        %dma_wait3A_57 = tpu.memref_slice %arg6[%mul3A_0, %dma_wait3A_56] : memref<16384x104xf32, #tpu.memory_space<hbm>> -> memref<1024x104xf32, #tpu.memory_space<hbm>>
        tpu.wait_dma2 semaphore(%run_scoped3A_49 : memref<!tpu.dma_semaphore, #tpu.memory_space<semaphore_mem>>) src(%dma_wait3A_57 : memref<1024x104xf32, #tpu.memory_space<hbm>>) dst(%dma_wait3A_55 : memref<1024x104xf32, #tpu.memory_space<vmem_shared>>)
        tpu.yield
      }) : () -> ()
      %mul3A_28 = arith.constant 64 : i32
      %mul3A_29 = arith.muli %arg1, %mul3A_28 : i32
      %dma_wait3A = arith.constant 0 : i32
      %dma_wait3A_30 = tpu.memref_slice %arg4[%scan3A_20, %mul3A_29, %dma_wait3A] : memref<4x1024x64xi32, #tpu.memory_space<hbm>> -> memref<1x64x64xi32, #tpu.memory_space<hbm>>
      %dma_wait3A_31 = tpu.memref_squeeze %dma_wait3A_30 : memref<1x64x64xi32, #tpu.memory_space<hbm>> -> memref<64x64xi32, #tpu.memory_space<hbm>>
      %dma_wait3A_32 = arith.constant 0 : i32
      %dma_wait3A_33 = tpu.memref_slice %arg4[%scan3A_20, %mul3A_29, %dma_wait3A_32] : memref<4x1024x64xi32, #tpu.memory_space<hbm>> -> memref<1x64x64xi32, #tpu.memory_space<hbm>>
      %dma_wait3A_34 = tpu.memref_squeeze %dma_wait3A_33 : memref<1x64x64xi32, #tpu.memory_space<hbm>> -> memref<64x64xi32, #tpu.memory_space<hbm>>
      tpu.wait_dma2 semaphore(%arg14 : memref<!tpu.dma_semaphore, #tpu.memory_space<semaphore_mem>>) src(%dma_wait3A_34 : memref<64x64xi32, #tpu.memory_space<hbm>>) dst(%arg9 : memref<64x64xi32, #tpu.memory_space<vmem>>)
      %barrier3A = arith.constant 0 : index
      tpu.barrier barrier_id(%barrier3A)
      %add3A = arith.constant 0 : i32
      %add3A_35 = arith.addi %mul3A_2, %add3A : i32
      %dma_start3A_36 = arith.constant 0 : i32
      %dma_start3A_37 = tpu.memref_slice %arg2[%arg0, %scan3A_20, %add3A_35, %dma_start3A_36] : memref<2x4x65536x104xf32, #tpu.memory_space<hbm>> -> memref<1x1x64x104xf32, #tpu.memory_space<hbm>>
      %dma_start3A_38 = tpu.memref_squeeze %dma_start3A_37 : memref<1x1x64x104xf32, #tpu.memory_space<hbm>> -> memref<64x104xf32, #tpu.memory_space<hbm>>
      %dma_start3A_39 = arith.constant 0 : i32
      %dma_start3A_40 = tpu.memref_slice %arg2[%arg0, %scan3A_20, %add3A_35, %dma_start3A_39] : memref<2x4x65536x104xf32, #tpu.memory_space<hbm>> -> memref<1x1x64x104xf32, #tpu.memory_space<hbm>>
      %dma_start3A_41 = tpu.memref_squeeze %dma_start3A_40 : memref<1x1x64x104xf32, #tpu.memory_space<hbm>> -> memref<64x104xf32, #tpu.memory_space<hbm>>
      tpu.enqueue_dma source(%dma_start3A_41 : memref<64x104xf32, #tpu.memory_space<hbm>>) target(%arg10 : memref<64x104xf32, #tpu.memory_space<vmem>>) target_semaphore(%arg12 : memref<!tpu.dma_semaphore, #tpu.memory_space<semaphore_mem>>)
      %scan3A_42 = arith.constant 0 : i32
      %scan3A_43 = arith.constant 0 : i32
      %scan3A_44 = arith.constant 32 : i32
      %scan3A_45 = arith.addi %scan3A_43, %scan3A_44 : i32
      %scan3A_46 = arith.constant 1 : i32
      scf.for %scan3A_49 = %scan3A_43 to %scan3A_45 step %scan3A_46  : i32 {
        %mul3A_50 = arith.constant 2 : i32
        %mul3A_51 = arith.muli %mul3A_50, %scan3A_49 : i32
        %add3A_52 = arith.constant 1 : i32
        %add3A_53 = arith.addi %mul3A_51, %add3A_52 : i32
        %mul3A_54 = arith.constant 64 : i32
        %mul3A_55 = arith.muli %add3A_53, %mul3A_54 : i32
        %add3A_56 = arith.addi %mul3A_2, %mul3A_55 : i32
        %dma_start3A_57 = arith.constant 0 : i32
        %dma_start3A_58 = tpu.memref_slice %arg2[%arg0, %scan3A_20, %add3A_56, %dma_start3A_57] : memref<2x4x65536x104xf32, #tpu.memory_space<hbm>> -> memref<1x1x64x104xf32, #tpu.memory_space<hbm>>
        %dma_start3A_59 = tpu.memref_squeeze %dma_start3A_58 : memref<1x1x64x104xf32, #tpu.memory_space<hbm>> -> memref<64x104xf32, #tpu.memory_space<hbm>>
        %dma_start3A_60 = arith.constant 0 : i32
        %dma_start3A_61 = tpu.memref_slice %arg2[%arg0, %scan3A_20, %add3A_56, %dma_start3A_60] : memref<2x4x65536x104xf32, #tpu.memory_space<hbm>> -> memref<1x1x64x104xf32, #tpu.memory_space<hbm>>
        %dma_start3A_62 = tpu.memref_squeeze %dma_start3A_61 : memref<1x1x64x104xf32, #tpu.memory_space<hbm>> -> memref<64x104xf32, #tpu.memory_space<hbm>>
        tpu.enqueue_dma source(%dma_start3A_62 : memref<64x104xf32, #tpu.memory_space<hbm>>) target(%arg11 : memref<64x104xf32, #tpu.memory_space<vmem>>) target_semaphore(%arg13 : memref<!tpu.dma_semaphore, #tpu.memory_space<semaphore_mem>>)
        %dma_wait3A_63 = arith.constant 0 : i32
        %dma_wait3A_64 = tpu.memref_slice %arg2[%arg0, %scan3A_20, %mul3A_2, %dma_wait3A_63] : memref<2x4x65536x104xf32, #tpu.memory_space<hbm>> -> memref<1x1x64x104xf32, #tpu.memory_space<hbm>>
        %dma_wait3A_65 = tpu.memref_squeeze %dma_wait3A_64 : memref<1x1x64x104xf32, #tpu.memory_space<hbm>> -> memref<64x104xf32, #tpu.memory_space<hbm>>
        %dma_wait3A_66 = arith.constant 0 : i32
        %dma_wait3A_67 = tpu.memref_slice %arg2[%arg0, %scan3A_20, %mul3A_2, %dma_wait3A_66] : memref<2x4x65536x104xf32, #tpu.memory_space<hbm>> -> memref<1x1x64x104xf32, #tpu.memory_space<hbm>>
        %dma_wait3A_68 = tpu.memref_squeeze %dma_wait3A_67 : memref<1x1x64x104xf32, #tpu.memory_space<hbm>> -> memref<64x104xf32, #tpu.memory_space<hbm>>
        tpu.wait_dma2 semaphore(%arg12 : memref<!tpu.dma_semaphore, #tpu.memory_space<semaphore_mem>>) src(%dma_wait3A_68 : memref<64x104xf32, #tpu.memory_space<hbm>>) dst(%arg10 : memref<64x104xf32, #tpu.memory_space<vmem>>)
        %mul3A_69 = arith.constant 2 : i32
        %mul3A_70 = arith.muli %mul3A_69, %scan3A_49 : i32
        "tpu.region"() ({
          %run_scoped3A_85 = tpu.sem_alloc : memref<!tpu.dma_semaphore, #tpu.memory_space<semaphore_mem>>
          %dma_start3A_86 = arith.constant 0 : i32
          %dma_start3A_87 = tpu.memref_slice %arg9[%mul3A_70, %dma_start3A_86] : memref<64x64xi32, #tpu.memory_space<vmem>> -> memref<1x64xi32, #tpu.memory_space<vmem>>
          %dma_start3A_88 = tpu.memref_squeeze %dma_start3A_87 : memref<1x64xi32, #tpu.memory_space<vmem>> -> memref<64xi32, #tpu.memory_space<vmem>>
          %dma_start3A_89 = arith.constant 0 : i32
          %dma_start3A_90 = arith.constant 0 : i32
          %dma_start3A_91 = tpu.memref_slice %arg8[%dma_start3A_89, %dma_start3A_90] : memref<16384x104xf32, #tpu.memory_space<vmem_shared>> -> memref<16384x104xf32, #tpu.memory_space<vmem_shared>>
          tpu.enqueue_indirect_dma source(%arg10 : memref<64x104xf32, #tpu.memory_space<vmem>>) target(%dma_start3A_91 : memref<16384x104xf32, #tpu.memory_space<vmem_shared>>) offsets(%dma_start3A_88 : memref<64xi32, #tpu.memory_space<vmem>>) semaphore(%run_scoped3A_85 : memref<!tpu.dma_semaphore, #tpu.memory_space<semaphore_mem>>) {add = true}
          %dma_wait3A_92 = arith.constant 0 : i32
          %dma_wait3A_93 = tpu.memref_slice %arg9[%mul3A_70, %dma_wait3A_92] : memref<64x64xi32, #tpu.memory_space<vmem>> -> memref<1x64xi32, #tpu.memory_space<vmem>>
          %dma_wait3A_94 = tpu.memref_squeeze %dma_wait3A_93 : memref<1x64xi32, #tpu.memory_space<vmem>> -> memref<64xi32, #tpu.memory_space<vmem>>
          %dma_wait3A_95 = arith.constant 0 : i32
          %dma_wait3A_96 = arith.constant 0 : i32
          %dma_wait3A_97 = tpu.memref_slice %arg8[%dma_wait3A_95, %dma_wait3A_96] : memref<16384x104xf32, #tpu.memory_space<vmem_shared>> -> memref<16384x104xf32, #tpu.memory_space<vmem_shared>>
          tpu.wait_indirect_dma semaphore(%run_scoped3A_85 : memref<!tpu.dma_semaphore, #tpu.memory_space<semaphore_mem>>) src(%arg10 : memref<64x104xf32, #tpu.memory_space<vmem>>) dst(%dma_wait3A_97 : memref<16384x104xf32, #tpu.memory_space<vmem_shared>>)
          tpu.yield
        }) : () -> ()
        %add3A_71 = arith.constant 1 : i32
        %add3A_72 = arith.addi %scan3A_49, %add3A_71 : i32
        %lt3A = arith.constant 32 : i32
        %lt3A_73 = arith.cmpi slt, %add3A_72, %lt3A : i32
        %convert_element_type3A = arith.extui %lt3A_73 : i1 to i32
        %cond3A = arith.constant 0 : i32
        %cond3A_74 = arith.cmpi ne, %convert_element_type3A, %cond3A : i32
        scf.if %cond3A_74 {
          %mul3A_85 = arith.constant 2 : i32
          %mul3A_86 = arith.muli %mul3A_85, %scan3A_49 : i32
          %add3A_87 = arith.constant 2 : i32
          %add3A_88 = arith.addi %mul3A_86, %add3A_87 : i32
          %mul3A_89 = arith.constant 64 : i32
          %mul3A_90 = arith.muli %add3A_88, %mul3A_89 : i32
          %add3A_91 = arith.addi %mul3A_2, %mul3A_90 : i32
          %dma_start3A_92 = arith.constant 0 : i32
          %dma_start3A_93 = tpu.memref_slice %arg2[%arg0, %scan3A_20, %add3A_91, %dma_start3A_92] : memref<2x4x65536x104xf32, #tpu.memory_space<hbm>> -> memref<1x1x64x104xf32, #tpu.memory_space<hbm>>
          %dma_start3A_94 = tpu.memref_squeeze %dma_start3A_93 : memref<1x1x64x104xf32, #tpu.memory_space<hbm>> -> memref<64x104xf32, #tpu.memory_space<hbm>>
          %dma_start3A_95 = arith.constant 0 : i32
          %dma_start3A_96 = tpu.memref_slice %arg2[%arg0, %scan3A_20, %add3A_91, %dma_start3A_95] : memref<2x4x65536x104xf32, #tpu.memory_space<hbm>> -> memref<1x1x64x104xf32, #tpu.memory_space<hbm>>
          %dma_start3A_97 = tpu.memref_squeeze %dma_start3A_96 : memref<1x1x64x104xf32, #tpu.memory_space<hbm>> -> memref<64x104xf32, #tpu.memory_space<hbm>>
          tpu.enqueue_dma source(%dma_start3A_97 : memref<64x104xf32, #tpu.memory_space<hbm>>) target(%arg10 : memref<64x104xf32, #tpu.memory_space<vmem>>) target_semaphore(%arg12 : memref<!tpu.dma_semaphore, #tpu.memory_space<semaphore_mem>>)
        } else {
        }
        %dma_wait3A_75 = arith.constant 0 : i32
        %dma_wait3A_76 = tpu.memref_slice %arg2[%arg0, %scan3A_20, %mul3A_2, %dma_wait3A_75] : memref<2x4x65536x104xf32, #tpu.memory_space<hbm>> -> memref<1x1x64x104xf32, #tpu.memory_space<hbm>>
        %dma_wait3A_77 = tpu.memref_squeeze %dma_wait3A_76 : memref<1x1x64x104xf32, #tpu.memory_space<hbm>> -> memref<64x104xf32, #tpu.memory_space<hbm>>
        %dma_wait3A_78 = arith.constant 0 : i32
        %dma_wait3A_79 = tpu.memref_slice %arg2[%arg0, %scan3A_20, %mul3A_2, %dma_wait3A_78] : memref<2x4x65536x104xf32, #tpu.memory_space<hbm>> -> memref<1x1x64x104xf32, #tpu.memory_space<hbm>>
        %dma_wait3A_80 = tpu.memref_squeeze %dma_wait3A_79 : memref<1x1x64x104xf32, #tpu.memory_space<hbm>> -> memref<64x104xf32, #tpu.memory_space<hbm>>
        tpu.wait_dma2 semaphore(%arg13 : memref<!tpu.dma_semaphore, #tpu.memory_space<semaphore_mem>>) src(%dma_wait3A_80 : memref<64x104xf32, #tpu.memory_space<hbm>>) dst(%arg11 : memref<64x104xf32, #tpu.memory_space<vmem>>)
        %mul3A_81 = arith.constant 2 : i32
        %mul3A_82 = arith.muli %mul3A_81, %scan3A_49 : i32
        %add3A_83 = arith.constant 1 : i32
        %add3A_84 = arith.addi %mul3A_82, %add3A_83 : i32
        "tpu.region"() ({
          %run_scoped3A_85 = tpu.sem_alloc : memref<!tpu.dma_semaphore, #tpu.memory_space<semaphore_mem>>
          %dma_start3A_86 = arith.constant 0 : i32
          %dma_start3A_87 = tpu.memref_slice %arg9[%add3A_84, %dma_start3A_86] : memref<64x64xi32, #tpu.memory_space<vmem>> -> memref<1x64xi32, #tpu.memory_space<vmem>>
          %dma_start3A_88 = tpu.memref_squeeze %dma_start3A_87 : memref<1x64xi32, #tpu.memory_space<vmem>> -> memref<64xi32, #tpu.memory_space<vmem>>
          %dma_start3A_89 = arith.constant 0 : i32
          %dma_start3A_90 = arith.constant 0 : i32
          %dma_start3A_91 = tpu.memref_slice %arg8[%dma_start3A_89, %dma_start3A_90] : memref<16384x104xf32, #tpu.memory_space<vmem_shared>> -> memref<16384x104xf32, #tpu.memory_space<vmem_shared>>
          tpu.enqueue_indirect_dma source(%arg11 : memref<64x104xf32, #tpu.memory_space<vmem>>) target(%dma_start3A_91 : memref<16384x104xf32, #tpu.memory_space<vmem_shared>>) offsets(%dma_start3A_88 : memref<64xi32, #tpu.memory_space<vmem>>) semaphore(%run_scoped3A_85 : memref<!tpu.dma_semaphore, #tpu.memory_space<semaphore_mem>>) {add = true}
          %dma_wait3A_92 = arith.constant 0 : i32
          %dma_wait3A_93 = tpu.memref_slice %arg9[%add3A_84, %dma_wait3A_92] : memref<64x64xi32, #tpu.memory_space<vmem>> -> memref<1x64xi32, #tpu.memory_space<vmem>>
          %dma_wait3A_94 = tpu.memref_squeeze %dma_wait3A_93 : memref<1x64xi32, #tpu.memory_space<vmem>> -> memref<64xi32, #tpu.memory_space<vmem>>
          %dma_wait3A_95 = arith.constant 0 : i32
          %dma_wait3A_96 = arith.constant 0 : i32
          %dma_wait3A_97 = tpu.memref_slice %arg8[%dma_wait3A_95, %dma_wait3A_96] : memref<16384x104xf32, #tpu.memory_space<vmem_shared>> -> memref<16384x104xf32, #tpu.memory_space<vmem_shared>>
          tpu.wait_indirect_dma semaphore(%run_scoped3A_85 : memref<!tpu.dma_semaphore, #tpu.memory_space<semaphore_mem>>) src(%arg11 : memref<64x104xf32, #tpu.memory_space<vmem>>) dst(%dma_wait3A_97 : memref<16384x104xf32, #tpu.memory_space<vmem_shared>>)
          tpu.yield
        }) : () -> ()
      }
      %scan3A_47 = arith.constant 32 : i32
      %barrier3A_48 = arith.constant 0 : index
      tpu.barrier barrier_id(%barrier3A_48)
      %run_scoped3A = arith.constant 1 : i32
      "tpu.region"() ({
        %run_scoped3A_49 = tpu.sem_alloc : memref<!tpu.dma_semaphore, #tpu.memory_space<semaphore_mem>>
        %dma_start3A_50 = arith.constant 0 : i32
        %dma_start3A_51 = tpu.memref_slice %arg7[%arg0, %scan3A_20, %run_scoped3A, %mul3A_0, %dma_start3A_50] : memref<2x4x3x16384x104xf32, #tpu.memory_space<hbm>> -> memref<1x1x1x1024x104xf32, #tpu.memory_space<hbm>>
        %dma_start3A_52 = tpu.memref_squeeze %dma_start3A_51 : memref<1x1x1x1024x104xf32, #tpu.memory_space<hbm>> -> memref<1024x104xf32, #tpu.memory_space<hbm>>
        %dma_start3A_53 = arith.constant 0 : i32
        %dma_start3A_54 = tpu.memref_slice %arg8[%mul3A_0, %dma_start3A_53] : memref<16384x104xf32, #tpu.memory_space<vmem_shared>> -> memref<1024x104xf32, #tpu.memory_space<vmem_shared>>
        tpu.enqueue_dma source(%dma_start3A_54 : memref<1024x104xf32, #tpu.memory_space<vmem_shared>>) target(%dma_start3A_52 : memref<1024x104xf32, #tpu.memory_space<hbm>>) target_semaphore(%run_scoped3A_49 : memref<!tpu.dma_semaphore, #tpu.memory_space<semaphore_mem>>)
        %dma_wait3A_55 = arith.constant 0 : i32
        %dma_wait3A_56 = tpu.memref_slice %arg7[%arg0, %scan3A_20, %run_scoped3A, %mul3A_0, %dma_wait3A_55] : memref<2x4x3x16384x104xf32, #tpu.memory_space<hbm>> -> memref<1x1x1x1024x104xf32, #tpu.memory_space<hbm>>
        %dma_wait3A_57 = tpu.memref_squeeze %dma_wait3A_56 : memref<1x1x1x1024x104xf32, #tpu.memory_space<hbm>> -> memref<1024x104xf32, #tpu.memory_space<hbm>>
        %dma_wait3A_58 = arith.constant 0 : i32
        %dma_wait3A_59 = tpu.memref_slice %arg8[%mul3A_0, %dma_wait3A_58] : memref<16384x104xf32, #tpu.memory_space<vmem_shared>> -> memref<1024x104xf32, #tpu.memory_space<vmem_shared>>
        tpu.wait_dma2 semaphore(%run_scoped3A_49 : memref<!tpu.dma_semaphore, #tpu.memory_space<semaphore_mem>>) src(%dma_wait3A_59 : memref<1024x104xf32, #tpu.memory_space<vmem_shared>>) dst(%dma_wait3A_57 : memref<1024x104xf32, #tpu.memory_space<hbm>>)
        tpu.yield
      }) : () -> ()
    }
    %scan3A_13 = arith.constant 4 : i32
    %scan3A_14 = arith.constant 0 : i32
    %scan3A_15 = arith.constant 0 : i32
    %scan3A_16 = arith.constant 4 : i32
    %scan3A_17 = arith.addi %scan3A_15, %scan3A_16 : i32
    %scan3A_18 = arith.constant 1 : i32
    scf.for %scan3A_20 = %scan3A_15 to %scan3A_17 step %scan3A_18  : i32 {
      %mul3A_21 = arith.constant 64 : i32
      %mul3A_22 = arith.muli %arg1, %mul3A_21 : i32
      %dma_start3A = arith.constant 0 : i32
      %dma_start3A_23 = tpu.memref_slice %arg5[%scan3A_20, %mul3A_22, %dma_start3A] : memref<4x1024x64xi32, #tpu.memory_space<hbm>> -> memref<1x64x64xi32, #tpu.memory_space<hbm>>
      %dma_start3A_24 = tpu.memref_squeeze %dma_start3A_23 : memref<1x64x64xi32, #tpu.memory_space<hbm>> -> memref<64x64xi32, #tpu.memory_space<hbm>>
      %dma_start3A_25 = arith.constant 0 : i32
      %dma_start3A_26 = tpu.memref_slice %arg5[%scan3A_20, %mul3A_22, %dma_start3A_25] : memref<4x1024x64xi32, #tpu.memory_space<hbm>> -> memref<1x64x64xi32, #tpu.memory_space<hbm>>
      %dma_start3A_27 = tpu.memref_squeeze %dma_start3A_26 : memref<1x64x64xi32, #tpu.memory_space<hbm>> -> memref<64x64xi32, #tpu.memory_space<hbm>>
      tpu.enqueue_dma source(%dma_start3A_27 : memref<64x64xi32, #tpu.memory_space<hbm>>) target(%arg9 : memref<64x64xi32, #tpu.memory_space<vmem>>) target_semaphore(%arg14 : memref<!tpu.dma_semaphore, #tpu.memory_space<semaphore_mem>>)
      "tpu.region"() ({
        %run_scoped3A_49 = tpu.sem_alloc : memref<!tpu.dma_semaphore, #tpu.memory_space<semaphore_mem>>
        %dma_start3A_50 = arith.constant 0 : i32
        %dma_start3A_51 = tpu.memref_slice %arg8[%mul3A_0, %dma_start3A_50] : memref<16384x104xf32, #tpu.memory_space<vmem_shared>> -> memref<1024x104xf32, #tpu.memory_space<vmem_shared>>
        %dma_start3A_52 = arith.constant 0 : i32
        %dma_start3A_53 = tpu.memref_slice %arg6[%mul3A_0, %dma_start3A_52] : memref<16384x104xf32, #tpu.memory_space<hbm>> -> memref<1024x104xf32, #tpu.memory_space<hbm>>
        tpu.enqueue_dma source(%dma_start3A_53 : memref<1024x104xf32, #tpu.memory_space<hbm>>) target(%dma_start3A_51 : memref<1024x104xf32, #tpu.memory_space<vmem_shared>>) target_semaphore(%run_scoped3A_49 : memref<!tpu.dma_semaphore, #tpu.memory_space<semaphore_mem>>)
        %dma_wait3A_54 = arith.constant 0 : i32
        %dma_wait3A_55 = tpu.memref_slice %arg8[%mul3A_0, %dma_wait3A_54] : memref<16384x104xf32, #tpu.memory_space<vmem_shared>> -> memref<1024x104xf32, #tpu.memory_space<vmem_shared>>
        %dma_wait3A_56 = arith.constant 0 : i32
        %dma_wait3A_57 = tpu.memref_slice %arg6[%mul3A_0, %dma_wait3A_56] : memref<16384x104xf32, #tpu.memory_space<hbm>> -> memref<1024x104xf32, #tpu.memory_space<hbm>>
        tpu.wait_dma2 semaphore(%run_scoped3A_49 : memref<!tpu.dma_semaphore, #tpu.memory_space<semaphore_mem>>) src(%dma_wait3A_57 : memref<1024x104xf32, #tpu.memory_space<hbm>>) dst(%dma_wait3A_55 : memref<1024x104xf32, #tpu.memory_space<vmem_shared>>)
        tpu.yield
      }) : () -> ()
      %mul3A_28 = arith.constant 64 : i32
      %mul3A_29 = arith.muli %arg1, %mul3A_28 : i32
      %dma_wait3A = arith.constant 0 : i32
      %dma_wait3A_30 = tpu.memref_slice %arg5[%scan3A_20, %mul3A_29, %dma_wait3A] : memref<4x1024x64xi32, #tpu.memory_space<hbm>> -> memref<1x64x64xi32, #tpu.memory_space<hbm>>
      %dma_wait3A_31 = tpu.memref_squeeze %dma_wait3A_30 : memref<1x64x64xi32, #tpu.memory_space<hbm>> -> memref<64x64xi32, #tpu.memory_space<hbm>>
      %dma_wait3A_32 = arith.constant 0 : i32
      %dma_wait3A_33 = tpu.memref_slice %arg5[%scan3A_20, %mul3A_29, %dma_wait3A_32] : memref<4x1024x64xi32, #tpu.memory_space<hbm>> -> memref<1x64x64xi32, #tpu.memory_space<hbm>>
      %dma_wait3A_34 = tpu.memref_squeeze %dma_wait3A_33 : memref<1x64x64xi32, #tpu.memory_space<hbm>> -> memref<64x64xi32, #tpu.memory_space<hbm>>
      tpu.wait_dma2 semaphore(%arg14 : memref<!tpu.dma_semaphore, #tpu.memory_space<semaphore_mem>>) src(%dma_wait3A_34 : memref<64x64xi32, #tpu.memory_space<hbm>>) dst(%arg9 : memref<64x64xi32, #tpu.memory_space<vmem>>)
      %barrier3A = arith.constant 0 : index
      tpu.barrier barrier_id(%barrier3A)
      %add3A = arith.constant 0 : i32
      %add3A_35 = arith.addi %mul3A_2, %add3A : i32
      %dma_start3A_36 = arith.constant 0 : i32
      %dma_start3A_37 = tpu.memref_slice %arg2[%arg0, %scan3A_20, %add3A_35, %dma_start3A_36] : memref<2x4x65536x104xf32, #tpu.memory_space<hbm>> -> memref<1x1x64x104xf32, #tpu.memory_space<hbm>>
      %dma_start3A_38 = tpu.memref_squeeze %dma_start3A_37 : memref<1x1x64x104xf32, #tpu.memory_space<hbm>> -> memref<64x104xf32, #tpu.memory_space<hbm>>
      %dma_start3A_39 = arith.constant 0 : i32
      %dma_start3A_40 = tpu.memref_slice %arg2[%arg0, %scan3A_20, %add3A_35, %dma_start3A_39] : memref<2x4x65536x104xf32, #tpu.memory_space<hbm>> -> memref<1x1x64x104xf32, #tpu.memory_space<hbm>>
      %dma_start3A_41 = tpu.memref_squeeze %dma_start3A_40 : memref<1x1x64x104xf32, #tpu.memory_space<hbm>> -> memref<64x104xf32, #tpu.memory_space<hbm>>
      tpu.enqueue_dma source(%dma_start3A_41 : memref<64x104xf32, #tpu.memory_space<hbm>>) target(%arg10 : memref<64x104xf32, #tpu.memory_space<vmem>>) target_semaphore(%arg12 : memref<!tpu.dma_semaphore, #tpu.memory_space<semaphore_mem>>)
      %scan3A_42 = arith.constant 0 : i32
      %scan3A_43 = arith.constant 0 : i32
      %scan3A_44 = arith.constant 32 : i32
      %scan3A_45 = arith.addi %scan3A_43, %scan3A_44 : i32
      %scan3A_46 = arith.constant 1 : i32
      scf.for %scan3A_49 = %scan3A_43 to %scan3A_45 step %scan3A_46  : i32 {
        %mul3A_50 = arith.constant 2 : i32
        %mul3A_51 = arith.muli %mul3A_50, %scan3A_49 : i32
        %add3A_52 = arith.constant 1 : i32
        %add3A_53 = arith.addi %mul3A_51, %add3A_52 : i32
        %mul3A_54 = arith.constant 64 : i32
        %mul3A_55 = arith.muli %add3A_53, %mul3A_54 : i32
        %add3A_56 = arith.addi %mul3A_2, %mul3A_55 : i32
        %dma_start3A_57 = arith.constant 0 : i32
        %dma_start3A_58 = tpu.memref_slice %arg2[%arg0, %scan3A_20, %add3A_56, %dma_start3A_57] : memref<2x4x65536x104xf32, #tpu.memory_space<hbm>> -> memref<1x1x64x104xf32, #tpu.memory_space<hbm>>
        %dma_start3A_59 = tpu.memref_squeeze %dma_start3A_58 : memref<1x1x64x104xf32, #tpu.memory_space<hbm>> -> memref<64x104xf32, #tpu.memory_space<hbm>>
        %dma_start3A_60 = arith.constant 0 : i32
        %dma_start3A_61 = tpu.memref_slice %arg2[%arg0, %scan3A_20, %add3A_56, %dma_start3A_60] : memref<2x4x65536x104xf32, #tpu.memory_space<hbm>> -> memref<1x1x64x104xf32, #tpu.memory_space<hbm>>
        %dma_start3A_62 = tpu.memref_squeeze %dma_start3A_61 : memref<1x1x64x104xf32, #tpu.memory_space<hbm>> -> memref<64x104xf32, #tpu.memory_space<hbm>>
        tpu.enqueue_dma source(%dma_start3A_62 : memref<64x104xf32, #tpu.memory_space<hbm>>) target(%arg11 : memref<64x104xf32, #tpu.memory_space<vmem>>) target_semaphore(%arg13 : memref<!tpu.dma_semaphore, #tpu.memory_space<semaphore_mem>>)
        %dma_wait3A_63 = arith.constant 0 : i32
        %dma_wait3A_64 = tpu.memref_slice %arg2[%arg0, %scan3A_20, %mul3A_2, %dma_wait3A_63] : memref<2x4x65536x104xf32, #tpu.memory_space<hbm>> -> memref<1x1x64x104xf32, #tpu.memory_space<hbm>>
        %dma_wait3A_65 = tpu.memref_squeeze %dma_wait3A_64 : memref<1x1x64x104xf32, #tpu.memory_space<hbm>> -> memref<64x104xf32, #tpu.memory_space<hbm>>
        %dma_wait3A_66 = arith.constant 0 : i32
        %dma_wait3A_67 = tpu.memref_slice %arg2[%arg0, %scan3A_20, %mul3A_2, %dma_wait3A_66] : memref<2x4x65536x104xf32, #tpu.memory_space<hbm>> -> memref<1x1x64x104xf32, #tpu.memory_space<hbm>>
        %dma_wait3A_68 = tpu.memref_squeeze %dma_wait3A_67 : memref<1x1x64x104xf32, #tpu.memory_space<hbm>> -> memref<64x104xf32, #tpu.memory_space<hbm>>
        tpu.wait_dma2 semaphore(%arg12 : memref<!tpu.dma_semaphore, #tpu.memory_space<semaphore_mem>>) src(%dma_wait3A_68 : memref<64x104xf32, #tpu.memory_space<hbm>>) dst(%arg10 : memref<64x104xf32, #tpu.memory_space<vmem>>)
        %mul3A_69 = arith.constant 2 : i32
        %mul3A_70 = arith.muli %mul3A_69, %scan3A_49 : i32
        "tpu.region"() ({
          %run_scoped3A_85 = tpu.sem_alloc : memref<!tpu.dma_semaphore, #tpu.memory_space<semaphore_mem>>
          %dma_start3A_86 = arith.constant 0 : i32
          %dma_start3A_87 = tpu.memref_slice %arg9[%mul3A_70, %dma_start3A_86] : memref<64x64xi32, #tpu.memory_space<vmem>> -> memref<1x64xi32, #tpu.memory_space<vmem>>
          %dma_start3A_88 = tpu.memref_squeeze %dma_start3A_87 : memref<1x64xi32, #tpu.memory_space<vmem>> -> memref<64xi32, #tpu.memory_space<vmem>>
          %dma_start3A_89 = arith.constant 0 : i32
          %dma_start3A_90 = arith.constant 0 : i32
          %dma_start3A_91 = tpu.memref_slice %arg8[%dma_start3A_89, %dma_start3A_90] : memref<16384x104xf32, #tpu.memory_space<vmem_shared>> -> memref<16384x104xf32, #tpu.memory_space<vmem_shared>>
          tpu.enqueue_indirect_dma source(%arg10 : memref<64x104xf32, #tpu.memory_space<vmem>>) target(%dma_start3A_91 : memref<16384x104xf32, #tpu.memory_space<vmem_shared>>) offsets(%dma_start3A_88 : memref<64xi32, #tpu.memory_space<vmem>>) semaphore(%run_scoped3A_85 : memref<!tpu.dma_semaphore, #tpu.memory_space<semaphore_mem>>) {add = true}
          %dma_wait3A_92 = arith.constant 0 : i32
          %dma_wait3A_93 = tpu.memref_slice %arg9[%mul3A_70, %dma_wait3A_92] : memref<64x64xi32, #tpu.memory_space<vmem>> -> memref<1x64xi32, #tpu.memory_space<vmem>>
          %dma_wait3A_94 = tpu.memref_squeeze %dma_wait3A_93 : memref<1x64xi32, #tpu.memory_space<vmem>> -> memref<64xi32, #tpu.memory_space<vmem>>
          %dma_wait3A_95 = arith.constant 0 : i32
          %dma_wait3A_96 = arith.constant 0 : i32
          %dma_wait3A_97 = tpu.memref_slice %arg8[%dma_wait3A_95, %dma_wait3A_96] : memref<16384x104xf32, #tpu.memory_space<vmem_shared>> -> memref<16384x104xf32, #tpu.memory_space<vmem_shared>>
          tpu.wait_indirect_dma semaphore(%run_scoped3A_85 : memref<!tpu.dma_semaphore, #tpu.memory_space<semaphore_mem>>) src(%arg10 : memref<64x104xf32, #tpu.memory_space<vmem>>) dst(%dma_wait3A_97 : memref<16384x104xf32, #tpu.memory_space<vmem_shared>>)
          tpu.yield
        }) : () -> ()
        %add3A_71 = arith.constant 1 : i32
        %add3A_72 = arith.addi %scan3A_49, %add3A_71 : i32
        %lt3A = arith.constant 32 : i32
        %lt3A_73 = arith.cmpi slt, %add3A_72, %lt3A : i32
        %convert_element_type3A = arith.extui %lt3A_73 : i1 to i32
        %cond3A = arith.constant 0 : i32
        %cond3A_74 = arith.cmpi ne, %convert_element_type3A, %cond3A : i32
        scf.if %cond3A_74 {
          %mul3A_85 = arith.constant 2 : i32
          %mul3A_86 = arith.muli %mul3A_85, %scan3A_49 : i32
          %add3A_87 = arith.constant 2 : i32
          %add3A_88 = arith.addi %mul3A_86, %add3A_87 : i32
          %mul3A_89 = arith.constant 64 : i32
          %mul3A_90 = arith.muli %add3A_88, %mul3A_89 : i32
          %add3A_91 = arith.addi %mul3A_2, %mul3A_90 : i32
          %dma_start3A_92 = arith.constant 0 : i32
          %dma_start3A_93 = tpu.memref_slice %arg2[%arg0, %scan3A_20, %add3A_91, %dma_start3A_92] : memref<2x4x65536x104xf32, #tpu.memory_space<hbm>> -> memref<1x1x64x104xf32, #tpu.memory_space<hbm>>
          %dma_start3A_94 = tpu.memref_squeeze %dma_start3A_93 : memref<1x1x64x104xf32, #tpu.memory_space<hbm>> -> memref<64x104xf32, #tpu.memory_space<hbm>>
          %dma_start3A_95 = arith.constant 0 : i32
          %dma_start3A_96 = tpu.memref_slice %arg2[%arg0, %scan3A_20, %add3A_91, %dma_start3A_95] : memref<2x4x65536x104xf32, #tpu.memory_space<hbm>> -> memref<1x1x64x104xf32, #tpu.memory_space<hbm>>
          %dma_start3A_97 = tpu.memref_squeeze %dma_start3A_96 : memref<1x1x64x104xf32, #tpu.memory_space<hbm>> -> memref<64x104xf32, #tpu.memory_space<hbm>>
          tpu.enqueue_dma source(%dma_start3A_97 : memref<64x104xf32, #tpu.memory_space<hbm>>) target(%arg10 : memref<64x104xf32, #tpu.memory_space<vmem>>) target_semaphore(%arg12 : memref<!tpu.dma_semaphore, #tpu.memory_space<semaphore_mem>>)
        } else {
        }
        %dma_wait3A_75 = arith.constant 0 : i32
        %dma_wait3A_76 = tpu.memref_slice %arg2[%arg0, %scan3A_20, %mul3A_2, %dma_wait3A_75] : memref<2x4x65536x104xf32, #tpu.memory_space<hbm>> -> memref<1x1x64x104xf32, #tpu.memory_space<hbm>>
        %dma_wait3A_77 = tpu.memref_squeeze %dma_wait3A_76 : memref<1x1x64x104xf32, #tpu.memory_space<hbm>> -> memref<64x104xf32, #tpu.memory_space<hbm>>
        %dma_wait3A_78 = arith.constant 0 : i32
        %dma_wait3A_79 = tpu.memref_slice %arg2[%arg0, %scan3A_20, %mul3A_2, %dma_wait3A_78] : memref<2x4x65536x104xf32, #tpu.memory_space<hbm>> -> memref<1x1x64x104xf32, #tpu.memory_space<hbm>>
        %dma_wait3A_80 = tpu.memref_squeeze %dma_wait3A_79 : memref<1x1x64x104xf32, #tpu.memory_space<hbm>> -> memref<64x104xf32, #tpu.memory_space<hbm>>
        tpu.wait_dma2 semaphore(%arg13 : memref<!tpu.dma_semaphore, #tpu.memory_space<semaphore_mem>>) src(%dma_wait3A_80 : memref<64x104xf32, #tpu.memory_space<hbm>>) dst(%arg11 : memref<64x104xf32, #tpu.memory_space<vmem>>)
        %mul3A_81 = arith.constant 2 : i32
        %mul3A_82 = arith.muli %mul3A_81, %scan3A_49 : i32
        %add3A_83 = arith.constant 1 : i32
        %add3A_84 = arith.addi %mul3A_82, %add3A_83 : i32
        "tpu.region"() ({
          %run_scoped3A_85 = tpu.sem_alloc : memref<!tpu.dma_semaphore, #tpu.memory_space<semaphore_mem>>
          %dma_start3A_86 = arith.constant 0 : i32
          %dma_start3A_87 = tpu.memref_slice %arg9[%add3A_84, %dma_start3A_86] : memref<64x64xi32, #tpu.memory_space<vmem>> -> memref<1x64xi32, #tpu.memory_space<vmem>>
          %dma_start3A_88 = tpu.memref_squeeze %dma_start3A_87 : memref<1x64xi32, #tpu.memory_space<vmem>> -> memref<64xi32, #tpu.memory_space<vmem>>
          %dma_start3A_89 = arith.constant 0 : i32
          %dma_start3A_90 = arith.constant 0 : i32
          %dma_start3A_91 = tpu.memref_slice %arg8[%dma_start3A_89, %dma_start3A_90] : memref<16384x104xf32, #tpu.memory_space<vmem_shared>> -> memref<16384x104xf32, #tpu.memory_space<vmem_shared>>
          tpu.enqueue_indirect_dma source(%arg11 : memref<64x104xf32, #tpu.memory_space<vmem>>) target(%dma_start3A_91 : memref<16384x104xf32, #tpu.memory_space<vmem_shared>>) offsets(%dma_start3A_88 : memref<64xi32, #tpu.memory_space<vmem>>) semaphore(%run_scoped3A_85 : memref<!tpu.dma_semaphore, #tpu.memory_space<semaphore_mem>>) {add = true}
          %dma_wait3A_92 = arith.constant 0 : i32
          %dma_wait3A_93 = tpu.memref_slice %arg9[%add3A_84, %dma_wait3A_92] : memref<64x64xi32, #tpu.memory_space<vmem>> -> memref<1x64xi32, #tpu.memory_space<vmem>>
          %dma_wait3A_94 = tpu.memref_squeeze %dma_wait3A_93 : memref<1x64xi32, #tpu.memory_space<vmem>> -> memref<64xi32, #tpu.memory_space<vmem>>
          %dma_wait3A_95 = arith.constant 0 : i32
          %dma_wait3A_96 = arith.constant 0 : i32
          %dma_wait3A_97 = tpu.memref_slice %arg8[%dma_wait3A_95, %dma_wait3A_96] : memref<16384x104xf32, #tpu.memory_space<vmem_shared>> -> memref<16384x104xf32, #tpu.memory_space<vmem_shared>>
          tpu.wait_indirect_dma semaphore(%run_scoped3A_85 : memref<!tpu.dma_semaphore, #tpu.memory_space<semaphore_mem>>) src(%arg11 : memref<64x104xf32, #tpu.memory_space<vmem>>) dst(%dma_wait3A_97 : memref<16384x104xf32, #tpu.memory_space<vmem_shared>>)
          tpu.yield
        }) : () -> ()
      }
      %scan3A_47 = arith.constant 32 : i32
      %barrier3A_48 = arith.constant 0 : index
      tpu.barrier barrier_id(%barrier3A_48)
      %run_scoped3A = arith.constant 2 : i32
      "tpu.region"() ({
        %run_scoped3A_49 = tpu.sem_alloc : memref<!tpu.dma_semaphore, #tpu.memory_space<semaphore_mem>>
        %dma_start3A_50 = arith.constant 0 : i32
        %dma_start3A_51 = tpu.memref_slice %arg7[%arg0, %scan3A_20, %run_scoped3A, %mul3A_0, %dma_start3A_50] : memref<2x4x3x16384x104xf32, #tpu.memory_space<hbm>> -> memref<1x1x1x1024x104xf32, #tpu.memory_space<hbm>>
        %dma_start3A_52 = tpu.memref_squeeze %dma_start3A_51 : memref<1x1x1x1024x104xf32, #tpu.memory_space<hbm>> -> memref<1024x104xf32, #tpu.memory_space<hbm>>
        %dma_start3A_53 = arith.constant 0 : i32
        %dma_start3A_54 = tpu.memref_slice %arg8[%mul3A_0, %dma_start3A_53] : memref<16384x104xf32, #tpu.memory_space<vmem_shared>> -> memref<1024x104xf32, #tpu.memory_space<vmem_shared>>
        tpu.enqueue_dma source(%dma_start3A_54 : memref<1024x104xf32, #tpu.memory_space<vmem_shared>>) target(%dma_start3A_52 : memref<1024x104xf32, #tpu.memory_space<hbm>>) target_semaphore(%run_scoped3A_49 : memref<!tpu.dma_semaphore, #tpu.memory_space<semaphore_mem>>)
        %dma_wait3A_55 = arith.constant 0 : i32
        %dma_wait3A_56 = tpu.memref_slice %arg7[%arg0, %scan3A_20, %run_scoped3A, %mul3A_0, %dma_wait3A_55] : memref<2x4x3x16384x104xf32, #tpu.memory_space<hbm>> -> memref<1x1x1x1024x104xf32, #tpu.memory_space<hbm>>
        %dma_wait3A_57 = tpu.memref_squeeze %dma_wait3A_56 : memref<1x1x1x1024x104xf32, #tpu.memory_space<hbm>> -> memref<1024x104xf32, #tpu.memory_space<hbm>>
        %dma_wait3A_58 = arith.constant 0 : i32
        %dma_wait3A_59 = tpu.memref_slice %arg8[%mul3A_0, %dma_wait3A_58] : memref<16384x104xf32, #tpu.memory_space<vmem_shared>> -> memref<1024x104xf32, #tpu.memory_space<vmem_shared>>
        tpu.wait_dma2 semaphore(%run_scoped3A_49 : memref<!tpu.dma_semaphore, #tpu.memory_space<semaphore_mem>>) src(%dma_wait3A_59 : memref<1024x104xf32, #tpu.memory_space<vmem_shared>>) dst(%dma_wait3A_57 : memref<1024x104xf32, #tpu.memory_space<hbm>>)
        tpu.yield
      }) : () -> ()
    }
    %scan3A_19 = arith.constant 4 : i32
    return
  }
}

module attributes {stable_mosaic.version = 14 : i64} {
  func.func @_w_body(%arg0: i32, %arg1: i32, %arg2: memref<8xf32, #tpu.memory_space<smem>>, %arg3: memref<1x1x64x1024xf32, #tpu.memory_space<vmem>>, %arg4: memref<1x1x64x1024xf32, #tpu.memory_space<vmem>>, %arg5: memref<1x1x64x1024xf32, #tpu.memory_space<vmem>>, %arg6: memref<1x1x64x1024xf32, #tpu.memory_space<vmem>>, %arg7: memref<1x1x64x1024xf32, #tpu.memory_space<vmem>>, %arg8: memref<1x1x64x1024xf32, #tpu.memory_space<vmem>>, %arg9: memref<1x1x64x1024xf32, #tpu.memory_space<vmem>>, %arg10: memref<1x1x64x1024xf32, #tpu.memory_space<vmem>>, %arg11: memref<1x1x64x1024xf32, #tpu.memory_space<vmem>>, %arg12: memref<1x8x64x1024xf32, #tpu.memory_space<vmem>>) attributes {dimension_semantics = [#tpu.dimension_semantics<arbitrary>, #tpu.dimension_semantics<arbitrary>], iteration_bounds = array<i64: 4, 26>, scalar_prefetch = 0 : i64, scratch_operands = 0 : i64, tpu.core_type = #tpu.core_type<tc>, window_params = [{transform_indices = @transform_0, window_bounds = array<i64: 8>}, {transform_indices = @transform_1, window_bounds = array<i64: 1, 1, 64, 1024>}, {transform_indices = @transform_2, window_bounds = array<i64: 1, 1, 64, 1024>}, {transform_indices = @transform_3, window_bounds = array<i64: 1, 1, 64, 1024>}, {transform_indices = @transform_4, window_bounds = array<i64: 1, 1, 64, 1024>}, {transform_indices = @transform_5, window_bounds = array<i64: 1, 1, 64, 1024>}, {transform_indices = @transform_6, window_bounds = array<i64: 1, 1, 64, 1024>}, {transform_indices = @transform_7, window_bounds = array<i64: 1, 1, 64, 1024>}, {transform_indices = @transform_8, window_bounds = array<i64: 1, 1, 64, 1024>}, {transform_indices = @transform_9, window_bounds = array<i64: 1, 1, 64, 1024>}, {transform_indices = @transform_10, window_bounds = array<i64: 1, 8, 64, 1024>}]} {
    %get3A = arith.constant 0 : index
    %get3A_0 = arith.constant 0 : index
    %get3A_1 = arith.constant 0 : index
    %get3A_2 = arith.constant 0 : index
    %get3A_3 = vector.load %arg3[%get3A, %get3A_0, %get3A_1, %get3A_2] : memref<1x1x64x1024xf32, #tpu.memory_space<vmem>>, vector<1x1x64x1024xf32>
    %get3A_4 = vector.shape_cast %get3A_3 : vector<1x1x64x1024xf32> to vector<64x1024xf32>
    %logistic3A = arith.negf %get3A_4 : vector<64x1024xf32>
    %logistic3A_5 = math.exp %logistic3A : vector<64x1024xf32>
    %logistic3A_6 = arith.constant 1.000000e+00 : f32
    %logistic3A_7 = vector.broadcast %logistic3A_6 : f32 to vector<64x1024xf32>
    %logistic3A_8 = arith.addf %logistic3A_7, %logistic3A_5 : vector<64x1024xf32>
    %logistic3A_9 = arith.divf %logistic3A_7, %logistic3A_8 : vector<64x1024xf32>
    %iota3A = tpu.iota {dimensions = array<i32: 0>} : vector<64x1024xi32>
    %mul3A = arith.constant 1024 : i32
    %mul3A_10 = vector.broadcast %mul3A : i32 to vector<64x1024xi32>
    %mul3A_11 = arith.muli %iota3A, %mul3A_10 : vector<64x1024xi32>
    %iota3A_12 = tpu.iota {dimensions = array<i32: 1>} : vector<64x1024xi32>
    %add3A = arith.addi %mul3A_11, %iota3A_12 : vector<64x1024xi32>
    %get3A_13 = arith.constant 0 : index
    %get3A_14 = memref.load %arg2[%get3A_13] : memref<8xf32, #tpu.memory_space<smem>>
    %get3A_15 = arith.constant 1 : index
    %get3A_16 = memref.load %arg2[%get3A_15] : memref<8xf32, #tpu.memory_space<smem>>
    %get3A_17 = arith.constant 2 : index
    %get3A_18 = memref.load %arg2[%get3A_17] : memref<8xf32, #tpu.memory_space<smem>>
    %get3A_19 = arith.constant 3 : index
    %get3A_20 = memref.load %arg2[%get3A_19] : memref<8xf32, #tpu.memory_space<smem>>
    %get3A_21 = arith.constant 4 : index
    %get3A_22 = memref.load %arg2[%get3A_21] : memref<8xf32, #tpu.memory_space<smem>>
    %get3A_23 = arith.constant 5 : index
    %get3A_24 = memref.load %arg2[%get3A_23] : memref<8xf32, #tpu.memory_space<smem>>
    %mul3A_25 = arith.constant 8 : i32
    %mul3A_26 = arith.muli %arg1, %mul3A_25 : i32
    %add3A_27 = arith.constant 0 : i32
    %add3A_28 = arith.addi %mul3A_26, %add3A_27 : i32
    %get3A_29 = arith.constant 0 : index
    %get3A_30 = arith.constant 0 : index
    %get3A_31 = arith.constant 0 : index
    %get3A_32 = arith.constant 0 : index
    %get3A_33 = vector.load %arg4[%get3A_29, %get3A_30, %get3A_31, %get3A_32] : memref<1x1x64x1024xf32, #tpu.memory_space<vmem>>, vector<1x1x64x1024xf32>
    %get3A_34 = vector.shape_cast %get3A_33 : vector<1x1x64x1024xf32> to vector<64x1024xf32>
    %mul3A_35 = arith.constant 72 : i32
    %mul3A_36 = arith.muli %mul3A_35, %add3A_28 : i32
    %add3A_37 = vector.broadcast %mul3A_36 : i32 to vector<64x1024xi32>
    %add3A_38 = arith.addi %add3A, %add3A_37 : vector<64x1024xi32>
    %rem3A = arith.constant 196 : i32
    %rem3A_39 = vector.broadcast %rem3A : i32 to vector<64x1024xi32>
    %rem3A_40 = arith.remsi %add3A_38, %rem3A_39 : vector<64x1024xi32>
    %eq3A = arith.constant 0 : i32
    %eq3A_41 = vector.broadcast %eq3A : i32 to vector<64x1024xi32>
    %eq3A_42 = arith.cmpi eq, %rem3A_40, %eq3A_41 : vector<64x1024xi32>
    %mul3A_43 = vector.broadcast %get3A_14 : f32 to vector<64x1024xf32>
    %mul3A_44 = arith.mulf %get3A_34, %mul3A_43 : vector<64x1024xf32>
    %add3A_45 = vector.broadcast %get3A_16 : f32 to vector<64x1024xf32>
    %add3A_46 = arith.addf %mul3A_44, %add3A_45 : vector<64x1024xf32>
    %eq3A_47 = arith.constant 1 : i32
    %eq3A_48 = vector.broadcast %eq3A_47 : i32 to vector<64x1024xi32>
    %eq3A_49 = arith.cmpi eq, %rem3A_40, %eq3A_48 : vector<64x1024xi32>
    %mul3A_50 = vector.broadcast %get3A_18 : f32 to vector<64x1024xf32>
    %mul3A_51 = arith.mulf %get3A_34, %mul3A_50 : vector<64x1024xf32>
    %add3A_52 = vector.broadcast %get3A_20 : f32 to vector<64x1024xf32>
    %add3A_53 = arith.addf %mul3A_51, %add3A_52 : vector<64x1024xf32>
    %eq3A_54 = arith.constant 2 : i32
    %eq3A_55 = vector.broadcast %eq3A_54 : i32 to vector<64x1024xi32>
    %eq3A_56 = arith.cmpi eq, %rem3A_40, %eq3A_55 : vector<64x1024xi32>
    %mul3A_57 = vector.broadcast %get3A_22 : f32 to vector<64x1024xf32>
    %mul3A_58 = arith.mulf %get3A_34, %mul3A_57 : vector<64x1024xf32>
    %add3A_59 = vector.broadcast %get3A_24 : f32 to vector<64x1024xf32>
    %add3A_60 = arith.addf %mul3A_58, %add3A_59 : vector<64x1024xf32>
    %select_n3A = arith.select %eq3A_56, %add3A_60, %get3A_34 : vector<64x1024xi1>, vector<64x1024xf32>
    %select_n3A_61 = arith.select %eq3A_49, %add3A_53, %select_n3A : vector<64x1024xi1>, vector<64x1024xf32>
    %select_n3A_62 = arith.select %eq3A_42, %add3A_46, %select_n3A_61 : vector<64x1024xi1>, vector<64x1024xf32>
    %lt3A = arith.constant 196 : i32
    %lt3A_63 = arith.cmpi slt, %add3A_28, %lt3A : i32
    %mul3A_64 = arith.mulf %select_n3A_62, %logistic3A_9 : vector<64x1024xf32>
    %eq3A_65 = arith.constant 196 : i32
    %eq3A_66 = arith.cmpi eq, %add3A_28, %eq3A_65 : i32
    %broadcast_in_dim3A = arith.constant 0.000000e+00 : f32
    %broadcast_in_dim3A_67 = vector.broadcast %broadcast_in_dim3A : f32 to vector<64x1024xf32>
    %select_n3A_68 = arith.select %eq3A_66, %logistic3A_9, %broadcast_in_dim3A_67 : vector<64x1024xf32>
    %select_n3A_69 = arith.select %lt3A_63, %mul3A_64, %select_n3A_68 : vector<64x1024xf32>
    %swap3A = arith.constant 0 : index
    %swap3A_70 = arith.constant 0 : index
    %swap3A_71 = arith.constant 0 : index
    %swap3A_72 = arith.constant 0 : index
    %swap3A_73 = vector.load %arg12[%swap3A, %swap3A_70, %swap3A_71, %swap3A_72] : memref<1x8x64x1024xf32, #tpu.memory_space<vmem>>, vector<1x1x64x1024xf32>
    %swap3A_74 = vector.shape_cast %swap3A_73 : vector<1x1x64x1024xf32> to vector<64x1024xf32>
    %swap3A_75 = vector.shape_cast %select_n3A_69 : vector<64x1024xf32> to vector<1x1x64x1024xf32>
    tpu.vector_store %arg12[%swap3A, %swap3A_70, %swap3A_71, %swap3A_72], %swap3A_75 {strides = array<i32>} : memref<1x8x64x1024xf32, #tpu.memory_space<vmem>>, vector<1x1x64x1024xf32>,
    %mul3A_76 = arith.constant 8 : i32
    %mul3A_77 = arith.muli %arg1, %mul3A_76 : i32
    %add3A_78 = arith.constant 1 : i32
    %add3A_79 = arith.addi %mul3A_77, %add3A_78 : i32
    %get3A_80 = arith.constant 0 : index
    %get3A_81 = arith.constant 0 : index
    %get3A_82 = arith.constant 0 : index
    %get3A_83 = arith.constant 0 : index
    %get3A_84 = vector.load %arg5[%get3A_80, %get3A_81, %get3A_82, %get3A_83] : memref<1x1x64x1024xf32, #tpu.memory_space<vmem>>, vector<1x1x64x1024xf32>
    %get3A_85 = vector.shape_cast %get3A_84 : vector<1x1x64x1024xf32> to vector<64x1024xf32>
    %mul3A_86 = arith.constant 72 : i32
    %mul3A_87 = arith.muli %mul3A_86, %add3A_79 : i32
    %add3A_88 = vector.broadcast %mul3A_87 : i32 to vector<64x1024xi32>
    %add3A_89 = arith.addi %add3A, %add3A_88 : vector<64x1024xi32>
    %rem3A_90 = arith.constant 196 : i32
    %rem3A_91 = vector.broadcast %rem3A_90 : i32 to vector<64x1024xi32>
    %rem3A_92 = arith.remsi %add3A_89, %rem3A_91 : vector<64x1024xi32>
    %eq3A_93 = arith.constant 0 : i32
    %eq3A_94 = vector.broadcast %eq3A_93 : i32 to vector<64x1024xi32>
    %eq3A_95 = arith.cmpi eq, %rem3A_92, %eq3A_94 : vector<64x1024xi32>
    %mul3A_96 = vector.broadcast %get3A_14 : f32 to vector<64x1024xf32>
    %mul3A_97 = arith.mulf %get3A_85, %mul3A_96 : vector<64x1024xf32>
    %add3A_98 = vector.broadcast %get3A_16 : f32 to vector<64x1024xf32>
    %add3A_99 = arith.addf %mul3A_97, %add3A_98 : vector<64x1024xf32>
    %eq3A_100 = arith.constant 1 : i32
    %eq3A_101 = vector.broadcast %eq3A_100 : i32 to vector<64x1024xi32>
    %eq3A_102 = arith.cmpi eq, %rem3A_92, %eq3A_101 : vector<64x1024xi32>
    %mul3A_103 = vector.broadcast %get3A_18 : f32 to vector<64x1024xf32>
    %mul3A_104 = arith.mulf %get3A_85, %mul3A_103 : vector<64x1024xf32>
    %add3A_105 = vector.broadcast %get3A_20 : f32 to vector<64x1024xf32>
    %add3A_106 = arith.addf %mul3A_104, %add3A_105 : vector<64x1024xf32>
    %eq3A_107 = arith.constant 2 : i32
    %eq3A_108 = vector.broadcast %eq3A_107 : i32 to vector<64x1024xi32>
    %eq3A_109 = arith.cmpi eq, %rem3A_92, %eq3A_108 : vector<64x1024xi32>
    %mul3A_110 = vector.broadcast %get3A_22 : f32 to vector<64x1024xf32>
    %mul3A_111 = arith.mulf %get3A_85, %mul3A_110 : vector<64x1024xf32>
    %add3A_112 = vector.broadcast %get3A_24 : f32 to vector<64x1024xf32>
    %add3A_113 = arith.addf %mul3A_111, %add3A_112 : vector<64x1024xf32>
    %select_n3A_114 = arith.select %eq3A_109, %add3A_113, %get3A_85 : vector<64x1024xi1>, vector<64x1024xf32>
    %select_n3A_115 = arith.select %eq3A_102, %add3A_106, %select_n3A_114 : vector<64x1024xi1>, vector<64x1024xf32>
    %select_n3A_116 = arith.select %eq3A_95, %add3A_99, %select_n3A_115 : vector<64x1024xi1>, vector<64x1024xf32>
    %lt3A_117 = arith.constant 196 : i32
    %lt3A_118 = arith.cmpi slt, %add3A_79, %lt3A_117 : i32
    %mul3A_119 = arith.mulf %select_n3A_116, %logistic3A_9 : vector<64x1024xf32>
    %eq3A_120 = arith.constant 196 : i32
    %eq3A_121 = arith.cmpi eq, %add3A_79, %eq3A_120 : i32
    %broadcast_in_dim3A_122 = arith.constant 0.000000e+00 : f32
    %broadcast_in_dim3A_123 = vector.broadcast %broadcast_in_dim3A_122 : f32 to vector<64x1024xf32>
    %select_n3A_124 = arith.select %eq3A_121, %logistic3A_9, %broadcast_in_dim3A_123 : vector<64x1024xf32>
    %select_n3A_125 = arith.select %lt3A_118, %mul3A_119, %select_n3A_124 : vector<64x1024xf32>
    %swap3A_126 = arith.constant 0 : index
    %swap3A_127 = arith.constant 1 : index
    %swap3A_128 = arith.constant 0 : index
    %swap3A_129 = arith.constant 0 : index
    %swap3A_130 = vector.load %arg12[%swap3A_126, %swap3A_127, %swap3A_128, %swap3A_129] : memref<1x8x64x1024xf32, #tpu.memory_space<vmem>>, vector<1x1x64x1024xf32>
    %swap3A_131 = vector.shape_cast %swap3A_130 : vector<1x1x64x1024xf32> to vector<64x1024xf32>
    %swap3A_132 = vector.shape_cast %select_n3A_125 : vector<64x1024xf32> to vector<1x1x64x1024xf32>
    tpu.vector_store %arg12[%swap3A_126, %swap3A_127, %swap3A_128, %swap3A_129], %swap3A_132 {strides = array<i32>} : memref<1x8x64x1024xf32, #tpu.memory_space<vmem>>, vector<1x1x64x1024xf32>,
    %mul3A_133 = arith.constant 8 : i32
    %mul3A_134 = arith.muli %arg1, %mul3A_133 : i32
    %add3A_135 = arith.constant 2 : i32
    %add3A_136 = arith.addi %mul3A_134, %add3A_135 : i32
    %get3A_137 = arith.constant 0 : index
    %get3A_138 = arith.constant 0 : index
    %get3A_139 = arith.constant 0 : index
    %get3A_140 = arith.constant 0 : index
    %get3A_141 = vector.load %arg6[%get3A_137, %get3A_138, %get3A_139, %get3A_140] : memref<1x1x64x1024xf32, #tpu.memory_space<vmem>>, vector<1x1x64x1024xf32>
    %get3A_142 = vector.shape_cast %get3A_141 : vector<1x1x64x1024xf32> to vector<64x1024xf32>
    %mul3A_143 = arith.constant 72 : i32
    %mul3A_144 = arith.muli %mul3A_143, %add3A_136 : i32
    %add3A_145 = vector.broadcast %mul3A_144 : i32 to vector<64x1024xi32>
    %add3A_146 = arith.addi %add3A, %add3A_145 : vector<64x1024xi32>
    %rem3A_147 = arith.constant 196 : i32
    %rem3A_148 = vector.broadcast %rem3A_147 : i32 to vector<64x1024xi32>
    %rem3A_149 = arith.remsi %add3A_146, %rem3A_148 : vector<64x1024xi32>
    %eq3A_150 = arith.constant 0 : i32
    %eq3A_151 = vector.broadcast %eq3A_150 : i32 to vector<64x1024xi32>
    %eq3A_152 = arith.cmpi eq, %rem3A_149, %eq3A_151 : vector<64x1024xi32>
    %mul3A_153 = vector.broadcast %get3A_14 : f32 to vector<64x1024xf32>
    %mul3A_154 = arith.mulf %get3A_142, %mul3A_153 : vector<64x1024xf32>
    %add3A_155 = vector.broadcast %get3A_16 : f32 to vector<64x1024xf32>
    %add3A_156 = arith.addf %mul3A_154, %add3A_155 : vector<64x1024xf32>
    %eq3A_157 = arith.constant 1 : i32
    %eq3A_158 = vector.broadcast %eq3A_157 : i32 to vector<64x1024xi32>
    %eq3A_159 = arith.cmpi eq, %rem3A_149, %eq3A_158 : vector<64x1024xi32>
    %mul3A_160 = vector.broadcast %get3A_18 : f32 to vector<64x1024xf32>
    %mul3A_161 = arith.mulf %get3A_142, %mul3A_160 : vector<64x1024xf32>
    %add3A_162 = vector.broadcast %get3A_20 : f32 to vector<64x1024xf32>
    %add3A_163 = arith.addf %mul3A_161, %add3A_162 : vector<64x1024xf32>
    %eq3A_164 = arith.constant 2 : i32
    %eq3A_165 = vector.broadcast %eq3A_164 : i32 to vector<64x1024xi32>
    %eq3A_166 = arith.cmpi eq, %rem3A_149, %eq3A_165 : vector<64x1024xi32>
    %mul3A_167 = vector.broadcast %get3A_22 : f32 to vector<64x1024xf32>
    %mul3A_168 = arith.mulf %get3A_142, %mul3A_167 : vector<64x1024xf32>
    %add3A_169 = vector.broadcast %get3A_24 : f32 to vector<64x1024xf32>
    %add3A_170 = arith.addf %mul3A_168, %add3A_169 : vector<64x1024xf32>
    %select_n3A_171 = arith.select %eq3A_166, %add3A_170, %get3A_142 : vector<64x1024xi1>, vector<64x1024xf32>
    %select_n3A_172 = arith.select %eq3A_159, %add3A_163, %select_n3A_171 : vector<64x1024xi1>, vector<64x1024xf32>
    %select_n3A_173 = arith.select %eq3A_152, %add3A_156, %select_n3A_172 : vector<64x1024xi1>, vector<64x1024xf32>
    %lt3A_174 = arith.constant 196 : i32
    %lt3A_175 = arith.cmpi slt, %add3A_136, %lt3A_174 : i32
    %mul3A_176 = arith.mulf %select_n3A_173, %logistic3A_9 : vector<64x1024xf32>
    %eq3A_177 = arith.constant 196 : i32
    %eq3A_178 = arith.cmpi eq, %add3A_136, %eq3A_177 : i32
    %broadcast_in_dim3A_179 = arith.constant 0.000000e+00 : f32
    %broadcast_in_dim3A_180 = vector.broadcast %broadcast_in_dim3A_179 : f32 to vector<64x1024xf32>
    %select_n3A_181 = arith.select %eq3A_178, %logistic3A_9, %broadcast_in_dim3A_180 : vector<64x1024xf32>
    %select_n3A_182 = arith.select %lt3A_175, %mul3A_176, %select_n3A_181 : vector<64x1024xf32>
    %swap3A_183 = arith.constant 0 : index
    %swap3A_184 = arith.constant 2 : index
    %swap3A_185 = arith.constant 0 : index
    %swap3A_186 = arith.constant 0 : index
    %swap3A_187 = vector.load %arg12[%swap3A_183, %swap3A_184, %swap3A_185, %swap3A_186] : memref<1x8x64x1024xf32, #tpu.memory_space<vmem>>, vector<1x1x64x1024xf32>
    %swap3A_188 = vector.shape_cast %swap3A_187 : vector<1x1x64x1024xf32> to vector<64x1024xf32>
    %swap3A_189 = vector.shape_cast %select_n3A_182 : vector<64x1024xf32> to vector<1x1x64x1024xf32>
    tpu.vector_store %arg12[%swap3A_183, %swap3A_184, %swap3A_185, %swap3A_186], %swap3A_189 {strides = array<i32>} : memref<1x8x64x1024xf32, #tpu.memory_space<vmem>>, vector<1x1x64x1024xf32>,
    %mul3A_190 = arith.constant 8 : i32
    %mul3A_191 = arith.muli %arg1, %mul3A_190 : i32
    %add3A_192 = arith.constant 3 : i32
    %add3A_193 = arith.addi %mul3A_191, %add3A_192 : i32
    %get3A_194 = arith.constant 0 : index
    %get3A_195 = arith.constant 0 : index
    %get3A_196 = arith.constant 0 : index
    %get3A_197 = arith.constant 0 : index
    %get3A_198 = vector.load %arg7[%get3A_194, %get3A_195, %get3A_196, %get3A_197] : memref<1x1x64x1024xf32, #tpu.memory_space<vmem>>, vector<1x1x64x1024xf32>
    %get3A_199 = vector.shape_cast %get3A_198 : vector<1x1x64x1024xf32> to vector<64x1024xf32>
    %mul3A_200 = arith.constant 72 : i32
    %mul3A_201 = arith.muli %mul3A_200, %add3A_193 : i32
    %add3A_202 = vector.broadcast %mul3A_201 : i32 to vector<64x1024xi32>
    %add3A_203 = arith.addi %add3A, %add3A_202 : vector<64x1024xi32>
    %rem3A_204 = arith.constant 196 : i32
    %rem3A_205 = vector.broadcast %rem3A_204 : i32 to vector<64x1024xi32>
    %rem3A_206 = arith.remsi %add3A_203, %rem3A_205 : vector<64x1024xi32>
    %eq3A_207 = arith.constant 0 : i32
    %eq3A_208 = vector.broadcast %eq3A_207 : i32 to vector<64x1024xi32>
    %eq3A_209 = arith.cmpi eq, %rem3A_206, %eq3A_208 : vector<64x1024xi32>
    %mul3A_210 = vector.broadcast %get3A_14 : f32 to vector<64x1024xf32>
    %mul3A_211 = arith.mulf %get3A_199, %mul3A_210 : vector<64x1024xf32>
    %add3A_212 = vector.broadcast %get3A_16 : f32 to vector<64x1024xf32>
    %add3A_213 = arith.addf %mul3A_211, %add3A_212 : vector<64x1024xf32>
    %eq3A_214 = arith.constant 1 : i32
    %eq3A_215 = vector.broadcast %eq3A_214 : i32 to vector<64x1024xi32>
    %eq3A_216 = arith.cmpi eq, %rem3A_206, %eq3A_215 : vector<64x1024xi32>
    %mul3A_217 = vector.broadcast %get3A_18 : f32 to vector<64x1024xf32>
    %mul3A_218 = arith.mulf %get3A_199, %mul3A_217 : vector<64x1024xf32>
    %add3A_219 = vector.broadcast %get3A_20 : f32 to vector<64x1024xf32>
    %add3A_220 = arith.addf %mul3A_218, %add3A_219 : vector<64x1024xf32>
    %eq3A_221 = arith.constant 2 : i32
    %eq3A_222 = vector.broadcast %eq3A_221 : i32 to vector<64x1024xi32>
    %eq3A_223 = arith.cmpi eq, %rem3A_206, %eq3A_222 : vector<64x1024xi32>
    %mul3A_224 = vector.broadcast %get3A_22 : f32 to vector<64x1024xf32>
    %mul3A_225 = arith.mulf %get3A_199, %mul3A_224 : vector<64x1024xf32>
    %add3A_226 = vector.broadcast %get3A_24 : f32 to vector<64x1024xf32>
    %add3A_227 = arith.addf %mul3A_225, %add3A_226 : vector<64x1024xf32>
    %select_n3A_228 = arith.select %eq3A_223, %add3A_227, %get3A_199 : vector<64x1024xi1>, vector<64x1024xf32>
    %select_n3A_229 = arith.select %eq3A_216, %add3A_220, %select_n3A_228 : vector<64x1024xi1>, vector<64x1024xf32>
    %select_n3A_230 = arith.select %eq3A_209, %add3A_213, %select_n3A_229 : vector<64x1024xi1>, vector<64x1024xf32>
    %lt3A_231 = arith.constant 196 : i32
    %lt3A_232 = arith.cmpi slt, %add3A_193, %lt3A_231 : i32
    %mul3A_233 = arith.mulf %select_n3A_230, %logistic3A_9 : vector<64x1024xf32>
    %eq3A_234 = arith.constant 196 : i32
    %eq3A_235 = arith.cmpi eq, %add3A_193, %eq3A_234 : i32
    %broadcast_in_dim3A_236 = arith.constant 0.000000e+00 : f32
    %broadcast_in_dim3A_237 = vector.broadcast %broadcast_in_dim3A_236 : f32 to vector<64x1024xf32>
    %select_n3A_238 = arith.select %eq3A_235, %logistic3A_9, %broadcast_in_dim3A_237 : vector<64x1024xf32>
    %select_n3A_239 = arith.select %lt3A_232, %mul3A_233, %select_n3A_238 : vector<64x1024xf32>
    %swap3A_240 = arith.constant 0 : index
    %swap3A_241 = arith.constant 3 : index
    %swap3A_242 = arith.constant 0 : index
    %swap3A_243 = arith.constant 0 : index
    %swap3A_244 = vector.load %arg12[%swap3A_240, %swap3A_241, %swap3A_242, %swap3A_243] : memref<1x8x64x1024xf32, #tpu.memory_space<vmem>>, vector<1x1x64x1024xf32>
    %swap3A_245 = vector.shape_cast %swap3A_244 : vector<1x1x64x1024xf32> to vector<64x1024xf32>
    %swap3A_246 = vector.shape_cast %select_n3A_239 : vector<64x1024xf32> to vector<1x1x64x1024xf32>
    tpu.vector_store %arg12[%swap3A_240, %swap3A_241, %swap3A_242, %swap3A_243], %swap3A_246 {strides = array<i32>} : memref<1x8x64x1024xf32, #tpu.memory_space<vmem>>, vector<1x1x64x1024xf32>,
    %mul3A_247 = arith.constant 8 : i32
    %mul3A_248 = arith.muli %arg1, %mul3A_247 : i32
    %add3A_249 = arith.constant 4 : i32
    %add3A_250 = arith.addi %mul3A_248, %add3A_249 : i32
    %get3A_251 = arith.constant 0 : index
    %get3A_252 = arith.constant 0 : index
    %get3A_253 = arith.constant 0 : index
    %get3A_254 = arith.constant 0 : index
    %get3A_255 = vector.load %arg8[%get3A_251, %get3A_252, %get3A_253, %get3A_254] : memref<1x1x64x1024xf32, #tpu.memory_space<vmem>>, vector<1x1x64x1024xf32>
    %get3A_256 = vector.shape_cast %get3A_255 : vector<1x1x64x1024xf32> to vector<64x1024xf32>
    %mul3A_257 = arith.constant 72 : i32
    %mul3A_258 = arith.muli %mul3A_257, %add3A_250 : i32
    %add3A_259 = vector.broadcast %mul3A_258 : i32 to vector<64x1024xi32>
    %add3A_260 = arith.addi %add3A, %add3A_259 : vector<64x1024xi32>
    %rem3A_261 = arith.constant 196 : i32
    %rem3A_262 = vector.broadcast %rem3A_261 : i32 to vector<64x1024xi32>
    %rem3A_263 = arith.remsi %add3A_260, %rem3A_262 : vector<64x1024xi32>
    %eq3A_264 = arith.constant 0 : i32
    %eq3A_265 = vector.broadcast %eq3A_264 : i32 to vector<64x1024xi32>
    %eq3A_266 = arith.cmpi eq, %rem3A_263, %eq3A_265 : vector<64x1024xi32>
    %mul3A_267 = vector.broadcast %get3A_14 : f32 to vector<64x1024xf32>
    %mul3A_268 = arith.mulf %get3A_256, %mul3A_267 : vector<64x1024xf32>
    %add3A_269 = vector.broadcast %get3A_16 : f32 to vector<64x1024xf32>
    %add3A_270 = arith.addf %mul3A_268, %add3A_269 : vector<64x1024xf32>
    %eq3A_271 = arith.constant 1 : i32
    %eq3A_272 = vector.broadcast %eq3A_271 : i32 to vector<64x1024xi32>
    %eq3A_273 = arith.cmpi eq, %rem3A_263, %eq3A_272 : vector<64x1024xi32>
    %mul3A_274 = vector.broadcast %get3A_18 : f32 to vector<64x1024xf32>
    %mul3A_275 = arith.mulf %get3A_256, %mul3A_274 : vector<64x1024xf32>
    %add3A_276 = vector.broadcast %get3A_20 : f32 to vector<64x1024xf32>
    %add3A_277 = arith.addf %mul3A_275, %add3A_276 : vector<64x1024xf32>
    %eq3A_278 = arith.constant 2 : i32
    %eq3A_279 = vector.broadcast %eq3A_278 : i32 to vector<64x1024xi32>
    %eq3A_280 = arith.cmpi eq, %rem3A_263, %eq3A_279 : vector<64x1024xi32>
    %mul3A_281 = vector.broadcast %get3A_22 : f32 to vector<64x1024xf32>
    %mul3A_282 = arith.mulf %get3A_256, %mul3A_281 : vector<64x1024xf32>
    %add3A_283 = vector.broadcast %get3A_24 : f32 to vector<64x1024xf32>
    %add3A_284 = arith.addf %mul3A_282, %add3A_283 : vector<64x1024xf32>
    %select_n3A_285 = arith.select %eq3A_280, %add3A_284, %get3A_256 : vector<64x1024xi1>, vector<64x1024xf32>
    %select_n3A_286 = arith.select %eq3A_273, %add3A_277, %select_n3A_285 : vector<64x1024xi1>, vector<64x1024xf32>
    %select_n3A_287 = arith.select %eq3A_266, %add3A_270, %select_n3A_286 : vector<64x1024xi1>, vector<64x1024xf32>
    %lt3A_288 = arith.constant 196 : i32
    %lt3A_289 = arith.cmpi slt, %add3A_250, %lt3A_288 : i32
    %mul3A_290 = arith.mulf %select_n3A_287, %logistic3A_9 : vector<64x1024xf32>
    %eq3A_291 = arith.constant 196 : i32
    %eq3A_292 = arith.cmpi eq, %add3A_250, %eq3A_291 : i32
    %broadcast_in_dim3A_293 = arith.constant 0.000000e+00 : f32
    %broadcast_in_dim3A_294 = vector.broadcast %broadcast_in_dim3A_293 : f32 to vector<64x1024xf32>
    %select_n3A_295 = arith.select %eq3A_292, %logistic3A_9, %broadcast_in_dim3A_294 : vector<64x1024xf32>
    %select_n3A_296 = arith.select %lt3A_289, %mul3A_290, %select_n3A_295 : vector<64x1024xf32>
    %swap3A_297 = arith.constant 0 : index
    %swap3A_298 = arith.constant 4 : index
    %swap3A_299 = arith.constant 0 : index
    %swap3A_300 = arith.constant 0 : index
    %swap3A_301 = vector.load %arg12[%swap3A_297, %swap3A_298, %swap3A_299, %swap3A_300] : memref<1x8x64x1024xf32, #tpu.memory_space<vmem>>, vector<1x1x64x1024xf32>
    %swap3A_302 = vector.shape_cast %swap3A_301 : vector<1x1x64x1024xf32> to vector<64x1024xf32>
    %swap3A_303 = vector.shape_cast %select_n3A_296 : vector<64x1024xf32> to vector<1x1x64x1024xf32>
    tpu.vector_store %arg12[%swap3A_297, %swap3A_298, %swap3A_299, %swap3A_300], %swap3A_303 {strides = array<i32>} : memref<1x8x64x1024xf32, #tpu.memory_space<vmem>>, vector<1x1x64x1024xf32>,
    %mul3A_304 = arith.constant 8 : i32
    %mul3A_305 = arith.muli %arg1, %mul3A_304 : i32
    %add3A_306 = arith.constant 5 : i32
    %add3A_307 = arith.addi %mul3A_305, %add3A_306 : i32
    %get3A_308 = arith.constant 0 : index
    %get3A_309 = arith.constant 0 : index
    %get3A_310 = arith.constant 0 : index
    %get3A_311 = arith.constant 0 : index
    %get3A_312 = vector.load %arg9[%get3A_308, %get3A_309, %get3A_310, %get3A_311] : memref<1x1x64x1024xf32, #tpu.memory_space<vmem>>, vector<1x1x64x1024xf32>
    %get3A_313 = vector.shape_cast %get3A_312 : vector<1x1x64x1024xf32> to vector<64x1024xf32>
    %mul3A_314 = arith.constant 72 : i32
    %mul3A_315 = arith.muli %mul3A_314, %add3A_307 : i32
    %add3A_316 = vector.broadcast %mul3A_315 : i32 to vector<64x1024xi32>
    %add3A_317 = arith.addi %add3A, %add3A_316 : vector<64x1024xi32>
    %rem3A_318 = arith.constant 196 : i32
    %rem3A_319 = vector.broadcast %rem3A_318 : i32 to vector<64x1024xi32>
    %rem3A_320 = arith.remsi %add3A_317, %rem3A_319 : vector<64x1024xi32>
    %eq3A_321 = arith.constant 0 : i32
    %eq3A_322 = vector.broadcast %eq3A_321 : i32 to vector<64x1024xi32>
    %eq3A_323 = arith.cmpi eq, %rem3A_320, %eq3A_322 : vector<64x1024xi32>
    %mul3A_324 = vector.broadcast %get3A_14 : f32 to vector<64x1024xf32>
    %mul3A_325 = arith.mulf %get3A_313, %mul3A_324 : vector<64x1024xf32>
    %add3A_326 = vector.broadcast %get3A_16 : f32 to vector<64x1024xf32>
    %add3A_327 = arith.addf %mul3A_325, %add3A_326 : vector<64x1024xf32>
    %eq3A_328 = arith.constant 1 : i32
    %eq3A_329 = vector.broadcast %eq3A_328 : i32 to vector<64x1024xi32>
    %eq3A_330 = arith.cmpi eq, %rem3A_320, %eq3A_329 : vector<64x1024xi32>
    %mul3A_331 = vector.broadcast %get3A_18 : f32 to vector<64x1024xf32>
    %mul3A_332 = arith.mulf %get3A_313, %mul3A_331 : vector<64x1024xf32>
    %add3A_333 = vector.broadcast %get3A_20 : f32 to vector<64x1024xf32>
    %add3A_334 = arith.addf %mul3A_332, %add3A_333 : vector<64x1024xf32>
    %eq3A_335 = arith.constant 2 : i32
    %eq3A_336 = vector.broadcast %eq3A_335 : i32 to vector<64x1024xi32>
    %eq3A_337 = arith.cmpi eq, %rem3A_320, %eq3A_336 : vector<64x1024xi32>
    %mul3A_338 = vector.broadcast %get3A_22 : f32 to vector<64x1024xf32>
    %mul3A_339 = arith.mulf %get3A_313, %mul3A_338 : vector<64x1024xf32>
    %add3A_340 = vector.broadcast %get3A_24 : f32 to vector<64x1024xf32>
    %add3A_341 = arith.addf %mul3A_339, %add3A_340 : vector<64x1024xf32>
    %select_n3A_342 = arith.select %eq3A_337, %add3A_341, %get3A_313 : vector<64x1024xi1>, vector<64x1024xf32>
    %select_n3A_343 = arith.select %eq3A_330, %add3A_334, %select_n3A_342 : vector<64x1024xi1>, vector<64x1024xf32>
    %select_n3A_344 = arith.select %eq3A_323, %add3A_327, %select_n3A_343 : vector<64x1024xi1>, vector<64x1024xf32>
    %lt3A_345 = arith.constant 196 : i32
    %lt3A_346 = arith.cmpi slt, %add3A_307, %lt3A_345 : i32
    %mul3A_347 = arith.mulf %select_n3A_344, %logistic3A_9 : vector<64x1024xf32>
    %eq3A_348 = arith.constant 196 : i32
    %eq3A_349 = arith.cmpi eq, %add3A_307, %eq3A_348 : i32
    %broadcast_in_dim3A_350 = arith.constant 0.000000e+00 : f32
    %broadcast_in_dim3A_351 = vector.broadcast %broadcast_in_dim3A_350 : f32 to vector<64x1024xf32>
    %select_n3A_352 = arith.select %eq3A_349, %logistic3A_9, %broadcast_in_dim3A_351 : vector<64x1024xf32>
    %select_n3A_353 = arith.select %lt3A_346, %mul3A_347, %select_n3A_352 : vector<64x1024xf32>
    %swap3A_354 = arith.constant 0 : index
    %swap3A_355 = arith.constant 5 : index
    %swap3A_356 = arith.constant 0 : index
    %swap3A_357 = arith.constant 0 : index
    %swap3A_358 = vector.load %arg12[%swap3A_354, %swap3A_355, %swap3A_356, %swap3A_357] : memref<1x8x64x1024xf32, #tpu.memory_space<vmem>>, vector<1x1x64x1024xf32>
    %swap3A_359 = vector.shape_cast %swap3A_358 : vector<1x1x64x1024xf32> to vector<64x1024xf32>
    %swap3A_360 = vector.shape_cast %select_n3A_353 : vector<64x1024xf32> to vector<1x1x64x1024xf32>
    tpu.vector_store %arg12[%swap3A_354, %swap3A_355, %swap3A_356, %swap3A_357], %swap3A_360 {strides = array<i32>} : memref<1x8x64x1024xf32, #tpu.memory_space<vmem>>, vector<1x1x64x1024xf32>,
    %mul3A_361 = arith.constant 8 : i32
    %mul3A_362 = arith.muli %arg1, %mul3A_361 : i32
    %add3A_363 = arith.constant 6 : i32
    %add3A_364 = arith.addi %mul3A_362, %add3A_363 : i32
    %get3A_365 = arith.constant 0 : index
    %get3A_366 = arith.constant 0 : index
    %get3A_367 = arith.constant 0 : index
    %get3A_368 = arith.constant 0 : index
    %get3A_369 = vector.load %arg10[%get3A_365, %get3A_366, %get3A_367, %get3A_368] : memref<1x1x64x1024xf32, #tpu.memory_space<vmem>>, vector<1x1x64x1024xf32>
    %get3A_370 = vector.shape_cast %get3A_369 : vector<1x1x64x1024xf32> to vector<64x1024xf32>
    %mul3A_371 = arith.constant 72 : i32
    %mul3A_372 = arith.muli %mul3A_371, %add3A_364 : i32
    %add3A_373 = vector.broadcast %mul3A_372 : i32 to vector<64x1024xi32>
    %add3A_374 = arith.addi %add3A, %add3A_373 : vector<64x1024xi32>
    %rem3A_375 = arith.constant 196 : i32
    %rem3A_376 = vector.broadcast %rem3A_375 : i32 to vector<64x1024xi32>
    %rem3A_377 = arith.remsi %add3A_374, %rem3A_376 : vector<64x1024xi32>
    %eq3A_378 = arith.constant 0 : i32
    %eq3A_379 = vector.broadcast %eq3A_378 : i32 to vector<64x1024xi32>
    %eq3A_380 = arith.cmpi eq, %rem3A_377, %eq3A_379 : vector<64x1024xi32>
    %mul3A_381 = vector.broadcast %get3A_14 : f32 to vector<64x1024xf32>
    %mul3A_382 = arith.mulf %get3A_370, %mul3A_381 : vector<64x1024xf32>
    %add3A_383 = vector.broadcast %get3A_16 : f32 to vector<64x1024xf32>
    %add3A_384 = arith.addf %mul3A_382, %add3A_383 : vector<64x1024xf32>
    %eq3A_385 = arith.constant 1 : i32
    %eq3A_386 = vector.broadcast %eq3A_385 : i32 to vector<64x1024xi32>
    %eq3A_387 = arith.cmpi eq, %rem3A_377, %eq3A_386 : vector<64x1024xi32>
    %mul3A_388 = vector.broadcast %get3A_18 : f32 to vector<64x1024xf32>
    %mul3A_389 = arith.mulf %get3A_370, %mul3A_388 : vector<64x1024xf32>
    %add3A_390 = vector.broadcast %get3A_20 : f32 to vector<64x1024xf32>
    %add3A_391 = arith.addf %mul3A_389, %add3A_390 : vector<64x1024xf32>
    %eq3A_392 = arith.constant 2 : i32
    %eq3A_393 = vector.broadcast %eq3A_392 : i32 to vector<64x1024xi32>
    %eq3A_394 = arith.cmpi eq, %rem3A_377, %eq3A_393 : vector<64x1024xi32>
    %mul3A_395 = vector.broadcast %get3A_22 : f32 to vector<64x1024xf32>
    %mul3A_396 = arith.mulf %get3A_370, %mul3A_395 : vector<64x1024xf32>
    %add3A_397 = vector.broadcast %get3A_24 : f32 to vector<64x1024xf32>
    %add3A_398 = arith.addf %mul3A_396, %add3A_397 : vector<64x1024xf32>
    %select_n3A_399 = arith.select %eq3A_394, %add3A_398, %get3A_370 : vector<64x1024xi1>, vector<64x1024xf32>
    %select_n3A_400 = arith.select %eq3A_387, %add3A_391, %select_n3A_399 : vector<64x1024xi1>, vector<64x1024xf32>
    %select_n3A_401 = arith.select %eq3A_380, %add3A_384, %select_n3A_400 : vector<64x1024xi1>, vector<64x1024xf32>
    %lt3A_402 = arith.constant 196 : i32
    %lt3A_403 = arith.cmpi slt, %add3A_364, %lt3A_402 : i32
    %mul3A_404 = arith.mulf %select_n3A_401, %logistic3A_9 : vector<64x1024xf32>
    %eq3A_405 = arith.constant 196 : i32
    %eq3A_406 = arith.cmpi eq, %add3A_364, %eq3A_405 : i32
    %broadcast_in_dim3A_407 = arith.constant 0.000000e+00 : f32
    %broadcast_in_dim3A_408 = vector.broadcast %broadcast_in_dim3A_407 : f32 to vector<64x1024xf32>
    %select_n3A_409 = arith.select %eq3A_406, %logistic3A_9, %broadcast_in_dim3A_408 : vector<64x1024xf32>
    %select_n3A_410 = arith.select %lt3A_403, %mul3A_404, %select_n3A_409 : vector<64x1024xf32>
    %swap3A_411 = arith.constant 0 : index
    %swap3A_412 = arith.constant 6 : index
    %swap3A_413 = arith.constant 0 : index
    %swap3A_414 = arith.constant 0 : index
    %swap3A_415 = vector.load %arg12[%swap3A_411, %swap3A_412, %swap3A_413, %swap3A_414] : memref<1x8x64x1024xf32, #tpu.memory_space<vmem>>, vector<1x1x64x1024xf32>
    %swap3A_416 = vector.shape_cast %swap3A_415 : vector<1x1x64x1024xf32> to vector<64x1024xf32>
    %swap3A_417 = vector.shape_cast %select_n3A_410 : vector<64x1024xf32> to vector<1x1x64x1024xf32>
    tpu.vector_store %arg12[%swap3A_411, %swap3A_412, %swap3A_413, %swap3A_414], %swap3A_417 {strides = array<i32>} : memref<1x8x64x1024xf32, #tpu.memory_space<vmem>>, vector<1x1x64x1024xf32>,
    %mul3A_418 = arith.constant 8 : i32
    %mul3A_419 = arith.muli %arg1, %mul3A_418 : i32
    %add3A_420 = arith.constant 7 : i32
    %add3A_421 = arith.addi %mul3A_419, %add3A_420 : i32
    %get3A_422 = arith.constant 0 : index
    %get3A_423 = arith.constant 0 : index
    %get3A_424 = arith.constant 0 : index
    %get3A_425 = arith.constant 0 : index
    %get3A_426 = vector.load %arg11[%get3A_422, %get3A_423, %get3A_424, %get3A_425] : memref<1x1x64x1024xf32, #tpu.memory_space<vmem>>, vector<1x1x64x1024xf32>
    %get3A_427 = vector.shape_cast %get3A_426 : vector<1x1x64x1024xf32> to vector<64x1024xf32>
    %mul3A_428 = arith.constant 72 : i32
    %mul3A_429 = arith.muli %mul3A_428, %add3A_421 : i32
    %add3A_430 = vector.broadcast %mul3A_429 : i32 to vector<64x1024xi32>
    %add3A_431 = arith.addi %add3A, %add3A_430 : vector<64x1024xi32>
    %rem3A_432 = arith.constant 196 : i32
    %rem3A_433 = vector.broadcast %rem3A_432 : i32 to vector<64x1024xi32>
    %rem3A_434 = arith.remsi %add3A_431, %rem3A_433 : vector<64x1024xi32>
    %eq3A_435 = arith.constant 0 : i32
    %eq3A_436 = vector.broadcast %eq3A_435 : i32 to vector<64x1024xi32>
    %eq3A_437 = arith.cmpi eq, %rem3A_434, %eq3A_436 : vector<64x1024xi32>
    %mul3A_438 = vector.broadcast %get3A_14 : f32 to vector<64x1024xf32>
    %mul3A_439 = arith.mulf %get3A_427, %mul3A_438 : vector<64x1024xf32>
    %add3A_440 = vector.broadcast %get3A_16 : f32 to vector<64x1024xf32>
    %add3A_441 = arith.addf %mul3A_439, %add3A_440 : vector<64x1024xf32>
    %eq3A_442 = arith.constant 1 : i32
    %eq3A_443 = vector.broadcast %eq3A_442 : i32 to vector<64x1024xi32>
    %eq3A_444 = arith.cmpi eq, %rem3A_434, %eq3A_443 : vector<64x1024xi32>
    %mul3A_445 = vector.broadcast %get3A_18 : f32 to vector<64x1024xf32>
    %mul3A_446 = arith.mulf %get3A_427, %mul3A_445 : vector<64x1024xf32>
    %add3A_447 = vector.broadcast %get3A_20 : f32 to vector<64x1024xf32>
    %add3A_448 = arith.addf %mul3A_446, %add3A_447 : vector<64x1024xf32>
    %eq3A_449 = arith.constant 2 : i32
    %eq3A_450 = vector.broadcast %eq3A_449 : i32 to vector<64x1024xi32>
    %eq3A_451 = arith.cmpi eq, %rem3A_434, %eq3A_450 : vector<64x1024xi32>
    %mul3A_452 = vector.broadcast %get3A_22 : f32 to vector<64x1024xf32>
    %mul3A_453 = arith.mulf %get3A_427, %mul3A_452 : vector<64x1024xf32>
    %add3A_454 = vector.broadcast %get3A_24 : f32 to vector<64x1024xf32>
    %add3A_455 = arith.addf %mul3A_453, %add3A_454 : vector<64x1024xf32>
    %select_n3A_456 = arith.select %eq3A_451, %add3A_455, %get3A_427 : vector<64x1024xi1>, vector<64x1024xf32>
    %select_n3A_457 = arith.select %eq3A_444, %add3A_448, %select_n3A_456 : vector<64x1024xi1>, vector<64x1024xf32>
    %select_n3A_458 = arith.select %eq3A_437, %add3A_441, %select_n3A_457 : vector<64x1024xi1>, vector<64x1024xf32>
    %lt3A_459 = arith.constant 196 : i32
    %lt3A_460 = arith.cmpi slt, %add3A_421, %lt3A_459 : i32
    %mul3A_461 = arith.mulf %select_n3A_458, %logistic3A_9 : vector<64x1024xf32>
    %eq3A_462 = arith.constant 196 : i32
    %eq3A_463 = arith.cmpi eq, %add3A_421, %eq3A_462 : i32
    %broadcast_in_dim3A_464 = arith.constant 0.000000e+00 : f32
    %broadcast_in_dim3A_465 = vector.broadcast %broadcast_in_dim3A_464 : f32 to vector<64x1024xf32>
    %select_n3A_466 = arith.select %eq3A_463, %logistic3A_9, %broadcast_in_dim3A_465 : vector<64x1024xf32>
    %select_n3A_467 = arith.select %lt3A_460, %mul3A_461, %select_n3A_466 : vector<64x1024xf32>
    %swap3A_468 = arith.constant 0 : index
    %swap3A_469 = arith.constant 7 : index
    %swap3A_470 = arith.constant 0 : index
    %swap3A_471 = arith.constant 0 : index
    %swap3A_472 = vector.load %arg12[%swap3A_468, %swap3A_469, %swap3A_470, %swap3A_471] : memref<1x8x64x1024xf32, #tpu.memory_space<vmem>>, vector<1x1x64x1024xf32>
    %swap3A_473 = vector.shape_cast %swap3A_472 : vector<1x1x64x1024xf32> to vector<64x1024xf32>
    %swap3A_474 = vector.shape_cast %select_n3A_467 : vector<64x1024xf32> to vector<1x1x64x1024xf32>
    tpu.vector_store %arg12[%swap3A_468, %swap3A_469, %swap3A_470, %swap3A_471], %swap3A_474 {strides = array<i32>} : memref<1x8x64x1024xf32, #tpu.memory_space<vmem>>, vector<1x1x64x1024xf32>,
    return
  }
  func.func @transform_0(%arg0: i32, %arg1: i32) -> i32 {
    %c0_i32 = arith.constant 0 : i32
    %c0_i32_0 = arith.constant 0 : i32
    return %c0_i32 : i32
  }
  func.func @transform_1(%arg0: i32, %arg1: i32) -> (i32, i32, i32, i32) {
    %c3_i32 = arith.constant 3 : i32
    %c0_i32 = arith.constant 0 : i32
    %c0_i32_0 = arith.constant 0 : i32
    %c0_i32_1 = arith.constant 0 : i32
    return %arg0, %c3_i32, %c0_i32, %c0_i32_0 : i32, i32, i32, i32
  }
  func.func @transform_2(%arg0: i32, %arg1: i32) -> (i32, i32, i32, i32) {
    %mul3A = arith.constant 8 : i32
    %mul3A_0 = arith.muli %arg1, %mul3A : i32
    %add3A = arith.constant 0 : i32
    %add3A_1 = arith.addi %mul3A_0, %add3A : i32
    %min3A = arith.constant 195 : i32
    %min3A_2 = arith.minsi %add3A_1, %min3A : i32
    %c0_i32 = arith.constant 0 : i32
    %c0_i32_3 = arith.constant 0 : i32
    %c0_i32_4 = arith.constant 0 : i32
    return %arg0, %min3A_2, %c0_i32, %c0_i32_3 : i32, i32, i32, i32
  }
  func.func @transform_3(%arg0: i32, %arg1: i32) -> (i32, i32, i32, i32) {
    %mul3A = arith.constant 8 : i32
    %mul3A_0 = arith.muli %arg1, %mul3A : i32
    %add3A = arith.constant 1 : i32
    %add3A_1 = arith.addi %mul3A_0, %add3A : i32
    %min3A = arith.constant 195 : i32
    %min3A_2 = arith.minsi %add3A_1, %min3A : i32
    %c0_i32 = arith.constant 0 : i32
    %c0_i32_3 = arith.constant 0 : i32
    %c0_i32_4 = arith.constant 0 : i32
    return %arg0, %min3A_2, %c0_i32, %c0_i32_3 : i32, i32, i32, i32
  }
  func.func @transform_4(%arg0: i32, %arg1: i32) -> (i32, i32, i32, i32) {
    %mul3A = arith.constant 8 : i32
    %mul3A_0 = arith.muli %arg1, %mul3A : i32
    %add3A = arith.constant 2 : i32
    %add3A_1 = arith.addi %mul3A_0, %add3A : i32
    %min3A = arith.constant 195 : i32
    %min3A_2 = arith.minsi %add3A_1, %min3A : i32
    %c0_i32 = arith.constant 0 : i32
    %c0_i32_3 = arith.constant 0 : i32
    %c0_i32_4 = arith.constant 0 : i32
    return %arg0, %min3A_2, %c0_i32, %c0_i32_3 : i32, i32, i32, i32
  }
  func.func @transform_5(%arg0: i32, %arg1: i32) -> (i32, i32, i32, i32) {
    %mul3A = arith.constant 8 : i32
    %mul3A_0 = arith.muli %arg1, %mul3A : i32
    %add3A = arith.constant 3 : i32
    %add3A_1 = arith.addi %mul3A_0, %add3A : i32
    %min3A = arith.constant 195 : i32
    %min3A_2 = arith.minsi %add3A_1, %min3A : i32
    %c0_i32 = arith.constant 0 : i32
    %c0_i32_3 = arith.constant 0 : i32
    %c0_i32_4 = arith.constant 0 : i32
    return %arg0, %min3A_2, %c0_i32, %c0_i32_3 : i32, i32, i32, i32
  }
  func.func @transform_6(%arg0: i32, %arg1: i32) -> (i32, i32, i32, i32) {
    %mul3A = arith.constant 8 : i32
    %mul3A_0 = arith.muli %arg1, %mul3A : i32
    %add3A = arith.constant 4 : i32
    %add3A_1 = arith.addi %mul3A_0, %add3A : i32
    %min3A = arith.constant 195 : i32
    %min3A_2 = arith.minsi %add3A_1, %min3A : i32
    %c0_i32 = arith.constant 0 : i32
    %c0_i32_3 = arith.constant 0 : i32
    %c0_i32_4 = arith.constant 0 : i32
    return %arg0, %min3A_2, %c0_i32, %c0_i32_3 : i32, i32, i32, i32
  }
  func.func @transform_7(%arg0: i32, %arg1: i32) -> (i32, i32, i32, i32) {
    %mul3A = arith.constant 8 : i32
    %mul3A_0 = arith.muli %arg1, %mul3A : i32
    %add3A = arith.constant 5 : i32
    %add3A_1 = arith.addi %mul3A_0, %add3A : i32
    %min3A = arith.constant 195 : i32
    %min3A_2 = arith.minsi %add3A_1, %min3A : i32
    %c0_i32 = arith.constant 0 : i32
    %c0_i32_3 = arith.constant 0 : i32
    %c0_i32_4 = arith.constant 0 : i32
    return %arg0, %min3A_2, %c0_i32, %c0_i32_3 : i32, i32, i32, i32
  }
  func.func @transform_8(%arg0: i32, %arg1: i32) -> (i32, i32, i32, i32) {
    %mul3A = arith.constant 8 : i32
    %mul3A_0 = arith.muli %arg1, %mul3A : i32
    %add3A = arith.constant 6 : i32
    %add3A_1 = arith.addi %mul3A_0, %add3A : i32
    %min3A = arith.constant 195 : i32
    %min3A_2 = arith.minsi %add3A_1, %min3A : i32
    %c0_i32 = arith.constant 0 : i32
    %c0_i32_3 = arith.constant 0 : i32
    %c0_i32_4 = arith.constant 0 : i32
    return %arg0, %min3A_2, %c0_i32, %c0_i32_3 : i32, i32, i32, i32
  }
  func.func @transform_9(%arg0: i32, %arg1: i32) -> (i32, i32, i32, i32) {
    %mul3A = arith.constant 8 : i32
    %mul3A_0 = arith.muli %arg1, %mul3A : i32
    %add3A = arith.constant 7 : i32
    %add3A_1 = arith.addi %mul3A_0, %add3A : i32
    %min3A = arith.constant 195 : i32
    %min3A_2 = arith.minsi %add3A_1, %min3A : i32
    %c0_i32 = arith.constant 0 : i32
    %c0_i32_3 = arith.constant 0 : i32
    %c0_i32_4 = arith.constant 0 : i32
    return %arg0, %min3A_2, %c0_i32, %c0_i32_3 : i32, i32, i32, i32
  }
  func.func @transform_10(%arg0: i32, %arg1: i32) -> (i32, i32, i32, i32) {
    %c0_i32 = arith.constant 0 : i32
    %c0_i32_0 = arith.constant 0 : i32
    %c0_i32_1 = arith.constant 0 : i32
    return %arg0, %arg1, %c0_i32, %c0_i32_0 : i32, i32, i32, i32
  }
}

module attributes {stable_mosaic.version = 14 : i64} {
  func.func @_idx_body(%arg0: i32, %arg1: i32, %arg2: memref<8xf32, #tpu.memory_space<smem>>, %arg3: memref<1x1x8x1024xf32, #tpu.memory_space<vmem>>, %arg4: memref<1x1x8x1024xf32, #tpu.memory_space<vmem>>, %arg5: memref<1x1x8x1024xf32, #tpu.memory_space<vmem>>, %arg6: memref<1x8x1024xi32, #tpu.memory_space<vmem>>, %arg7: memref<1x8x1024xi32, #tpu.memory_space<vmem>>, %arg8: memref<1x8x1024xi32, #tpu.memory_space<vmem>>) attributes {dimension_semantics = [#tpu.dimension_semantics<arbitrary>, #tpu.dimension_semantics<arbitrary>], iteration_bounds = array<i64: 4, 8>, scalar_prefetch = 0 : i64, scratch_operands = 0 : i64, tpu.core_type = #tpu.core_type<tc>, window_params = [{transform_indices = @transform_0, window_bounds = array<i64: 8>}, {transform_indices = @transform_1, window_bounds = array<i64: 1, 1, 8, 1024>}, {transform_indices = @transform_2, window_bounds = array<i64: 1, 1, 8, 1024>}, {transform_indices = @transform_3, window_bounds = array<i64: 1, 1, 8, 1024>}, {transform_indices = @transform_4, window_bounds = array<i64: 1, 8, 1024>}, {transform_indices = @transform_5, window_bounds = array<i64: 1, 8, 1024>}, {transform_indices = @transform_6, window_bounds = array<i64: 1, 8, 1024>}]} {
    %get3A = arith.constant 0 : index
    %get3A_0 = memref.load %arg2[%get3A] : memref<8xf32, #tpu.memory_space<smem>>
    %get3A_1 = arith.constant 1 : index
    %get3A_2 = memref.load %arg2[%get3A_1] : memref<8xf32, #tpu.memory_space<smem>>
    %get3A_3 = arith.constant 2 : index
    %get3A_4 = memref.load %arg2[%get3A_3] : memref<8xf32, #tpu.memory_space<smem>>
    %get3A_5 = arith.constant 3 : index
    %get3A_6 = memref.load %arg2[%get3A_5] : memref<8xf32, #tpu.memory_space<smem>>
    %get3A_7 = arith.constant 4 : index
    %get3A_8 = memref.load %arg2[%get3A_7] : memref<8xf32, #tpu.memory_space<smem>>
    %get3A_9 = arith.constant 5 : index
    %get3A_10 = memref.load %arg2[%get3A_9] : memref<8xf32, #tpu.memory_space<smem>>
    %get3A_11 = arith.constant 0 : index
    %get3A_12 = arith.constant 0 : index
    %get3A_13 = arith.constant 0 : index
    %get3A_14 = arith.constant 0 : index
    %get3A_15 = vector.load %arg3[%get3A_11, %get3A_12, %get3A_13, %get3A_14] : memref<1x1x8x1024xf32, #tpu.memory_space<vmem>>, vector<1x1x8x1024xf32>
    %get3A_16 = vector.shape_cast %get3A_15 : vector<1x1x8x1024xf32> to vector<8x1024xf32>
    %mul3A = vector.broadcast %get3A_0 : f32 to vector<8x1024xf32>
    %mul3A_17 = arith.mulf %get3A_16, %mul3A : vector<8x1024xf32>
    %add3A = vector.broadcast %get3A_2 : f32 to vector<8x1024xf32>
    %add3A_18 = arith.addf %mul3A_17, %add3A : vector<8x1024xf32>
    %mul3A_19 = arith.constant 5.000000e-01 : f32
    %mul3A_20 = vector.broadcast %mul3A_19 : f32 to vector<8x1024xf32>
    %mul3A_21 = arith.mulf %add3A_18, %mul3A_20 : vector<8x1024xf32>
    %add3A_22 = arith.constant 5.000000e-01 : f32
    %add3A_23 = vector.broadcast %add3A_22 : f32 to vector<8x1024xf32>
    %add3A_24 = arith.addf %mul3A_21, %add3A_23 : vector<8x1024xf32>
    %mul3A_25 = arith.constant 1.270000e+02 : f32
    %mul3A_26 = vector.broadcast %mul3A_25 : f32 to vector<8x1024xf32>
    %mul3A_27 = arith.mulf %add3A_24, %mul3A_26 : vector<8x1024xf32>
    %convert_element_type3A = arith.fptosi %mul3A_27 : vector<8x1024xf32> to vector<8x1024xi32>
    %jit3A = arith.constant 0 : i32
    %jit3A_28 = arith.constant 127 : i32
    %max3A = vector.broadcast %jit3A : i32 to vector<8x1024xi32>
    %max3A_29 = arith.maxsi %max3A, %convert_element_type3A : vector<8x1024xi32>
    %min3A = vector.broadcast %jit3A_28 : i32 to vector<8x1024xi32>
    %min3A_30 = arith.minsi %min3A, %max3A_29 : vector<8x1024xi32>
    %get3A_31 = arith.constant 0 : index
    %get3A_32 = arith.constant 0 : index
    %get3A_33 = arith.constant 0 : index
    %get3A_34 = arith.constant 0 : index
    %get3A_35 = vector.load %arg4[%get3A_31, %get3A_32, %get3A_33, %get3A_34] : memref<1x1x8x1024xf32, #tpu.memory_space<vmem>>, vector<1x1x8x1024xf32>
    %get3A_36 = vector.shape_cast %get3A_35 : vector<1x1x8x1024xf32> to vector<8x1024xf32>
    %mul3A_37 = vector.broadcast %get3A_4 : f32 to vector<8x1024xf32>
    %mul3A_38 = arith.mulf %get3A_36, %mul3A_37 : vector<8x1024xf32>
    %add3A_39 = vector.broadcast %get3A_6 : f32 to vector<8x1024xf32>
    %add3A_40 = arith.addf %mul3A_38, %add3A_39 : vector<8x1024xf32>
    %mul3A_41 = arith.constant 5.000000e-01 : f32
    %mul3A_42 = vector.broadcast %mul3A_41 : f32 to vector<8x1024xf32>
    %mul3A_43 = arith.mulf %add3A_40, %mul3A_42 : vector<8x1024xf32>
    %add3A_44 = arith.constant 5.000000e-01 : f32
    %add3A_45 = vector.broadcast %add3A_44 : f32 to vector<8x1024xf32>
    %add3A_46 = arith.addf %mul3A_43, %add3A_45 : vector<8x1024xf32>
    %mul3A_47 = arith.constant 1.270000e+02 : f32
    %mul3A_48 = vector.broadcast %mul3A_47 : f32 to vector<8x1024xf32>
    %mul3A_49 = arith.mulf %add3A_46, %mul3A_48 : vector<8x1024xf32>
    %convert_element_type3A_50 = arith.fptosi %mul3A_49 : vector<8x1024xf32> to vector<8x1024xi32>
    %jit3A_51 = arith.constant 0 : i32
    %jit3A_52 = arith.constant 127 : i32
    %max3A_53 = vector.broadcast %jit3A_51 : i32 to vector<8x1024xi32>
    %max3A_54 = arith.maxsi %max3A_53, %convert_element_type3A_50 : vector<8x1024xi32>
    %min3A_55 = vector.broadcast %jit3A_52 : i32 to vector<8x1024xi32>
    %min3A_56 = arith.minsi %min3A_55, %max3A_54 : vector<8x1024xi32>
    %get3A_57 = arith.constant 0 : index
    %get3A_58 = arith.constant 0 : index
    %get3A_59 = arith.constant 0 : index
    %get3A_60 = arith.constant 0 : index
    %get3A_61 = vector.load %arg5[%get3A_57, %get3A_58, %get3A_59, %get3A_60] : memref<1x1x8x1024xf32, #tpu.memory_space<vmem>>, vector<1x1x8x1024xf32>
    %get3A_62 = vector.shape_cast %get3A_61 : vector<1x1x8x1024xf32> to vector<8x1024xf32>
    %mul3A_63 = vector.broadcast %get3A_8 : f32 to vector<8x1024xf32>
    %mul3A_64 = arith.mulf %get3A_62, %mul3A_63 : vector<8x1024xf32>
    %add3A_65 = vector.broadcast %get3A_10 : f32 to vector<8x1024xf32>
    %add3A_66 = arith.addf %mul3A_64, %add3A_65 : vector<8x1024xf32>
    %mul3A_67 = arith.constant 5.000000e-01 : f32
    %mul3A_68 = vector.broadcast %mul3A_67 : f32 to vector<8x1024xf32>
    %mul3A_69 = arith.mulf %add3A_66, %mul3A_68 : vector<8x1024xf32>
    %add3A_70 = arith.constant 5.000000e-01 : f32
    %add3A_71 = vector.broadcast %add3A_70 : f32 to vector<8x1024xf32>
    %add3A_72 = arith.addf %mul3A_69, %add3A_71 : vector<8x1024xf32>
    %mul3A_73 = arith.constant 1.270000e+02 : f32
    %mul3A_74 = vector.broadcast %mul3A_73 : f32 to vector<8x1024xf32>
    %mul3A_75 = arith.mulf %add3A_72, %mul3A_74 : vector<8x1024xf32>
    %convert_element_type3A_76 = arith.fptosi %mul3A_75 : vector<8x1024xf32> to vector<8x1024xi32>
    %jit3A_77 = arith.constant 0 : i32
    %jit3A_78 = arith.constant 127 : i32
    %max3A_79 = vector.broadcast %jit3A_77 : i32 to vector<8x1024xi32>
    %max3A_80 = arith.maxsi %max3A_79, %convert_element_type3A_76 : vector<8x1024xi32>
    %min3A_81 = vector.broadcast %jit3A_78 : i32 to vector<8x1024xi32>
    %min3A_82 = arith.minsi %min3A_81, %max3A_80 : vector<8x1024xi32>
    %mul3A_83 = arith.constant 128 : i32
    %mul3A_84 = vector.broadcast %mul3A_83 : i32 to vector<8x1024xi32>
    %mul3A_85 = arith.muli %min3A_30, %mul3A_84 : vector<8x1024xi32>
    %add3A_86 = arith.addi %mul3A_85, %min3A_56 : vector<8x1024xi32>
    %swap3A = arith.constant 0 : index
    %swap3A_87 = arith.constant 0 : index
    %swap3A_88 = arith.constant 0 : index
    %swap3A_89 = vector.load %arg6[%swap3A, %swap3A_87, %swap3A_88] : memref<1x8x1024xi32, #tpu.memory_space<vmem>>, vector<1x8x1024xi32>
    %swap3A_90 = vector.shape_cast %swap3A_89 : vector<1x8x1024xi32> to vector<8x1024xi32>
    %swap3A_91 = vector.shape_cast %add3A_86 : vector<8x1024xi32> to vector<1x8x1024xi32>
    tpu.vector_store %arg6[%swap3A, %swap3A_87, %swap3A_88], %swap3A_91 {strides = array<i32>} : memref<1x8x1024xi32, #tpu.memory_space<vmem>>, vector<1x8x1024xi32>,
    %mul3A_92 = arith.constant 128 : i32
    %mul3A_93 = vector.broadcast %mul3A_92 : i32 to vector<8x1024xi32>
    %mul3A_94 = arith.muli %min3A_30, %mul3A_93 : vector<8x1024xi32>
    %add3A_95 = arith.addi %mul3A_94, %min3A_82 : vector<8x1024xi32>
    %swap3A_96 = arith.constant 0 : index
    %swap3A_97 = arith.constant 0 : index
    %swap3A_98 = arith.constant 0 : index
    %swap3A_99 = vector.load %arg7[%swap3A_96, %swap3A_97, %swap3A_98] : memref<1x8x1024xi32, #tpu.memory_space<vmem>>, vector<1x8x1024xi32>
    %swap3A_100 = vector.shape_cast %swap3A_99 : vector<1x8x1024xi32> to vector<8x1024xi32>
    %swap3A_101 = vector.shape_cast %add3A_95 : vector<8x1024xi32> to vector<1x8x1024xi32>
    tpu.vector_store %arg7[%swap3A_96, %swap3A_97, %swap3A_98], %swap3A_101 {strides = array<i32>} : memref<1x8x1024xi32, #tpu.memory_space<vmem>>, vector<1x8x1024xi32>,
    %mul3A_102 = arith.constant 128 : i32
    %mul3A_103 = vector.broadcast %mul3A_102 : i32 to vector<8x1024xi32>
    %mul3A_104 = arith.muli %min3A_56, %mul3A_103 : vector<8x1024xi32>
    %add3A_105 = arith.addi %mul3A_104, %min3A_82 : vector<8x1024xi32>
    %swap3A_106 = arith.constant 0 : index
    %swap3A_107 = arith.constant 0 : index
    %swap3A_108 = arith.constant 0 : index
    %swap3A_109 = vector.load %arg8[%swap3A_106, %swap3A_107, %swap3A_108] : memref<1x8x1024xi32, #tpu.memory_space<vmem>>, vector<1x8x1024xi32>
    %swap3A_110 = vector.shape_cast %swap3A_109 : vector<1x8x1024xi32> to vector<8x1024xi32>
    %swap3A_111 = vector.shape_cast %add3A_105 : vector<8x1024xi32> to vector<1x8x1024xi32>
    tpu.vector_store %arg8[%swap3A_106, %swap3A_107, %swap3A_108], %swap3A_111 {strides = array<i32>} : memref<1x8x1024xi32, #tpu.memory_space<vmem>>, vector<1x8x1024xi32>,
    return
  }
  func.func @transform_0(%arg0: i32, %arg1: i32) -> i32 {
    %c0_i32 = arith.constant 0 : i32
    %c0_i32_0 = arith.constant 0 : i32
    return %c0_i32 : i32
  }
  func.func @transform_1(%arg0: i32, %arg1: i32) -> (i32, i32, i32, i32) {
    %c0_i32 = arith.constant 0 : i32
    %c0_i32_0 = arith.constant 0 : i32
    %c0_i32_1 = arith.constant 0 : i32
    return %arg0, %c0_i32, %arg1, %c0_i32_0 : i32, i32, i32, i32
  }
  func.func @transform_2(%arg0: i32, %arg1: i32) -> (i32, i32, i32, i32) {
    %c1_i32 = arith.constant 1 : i32
    %c0_i32 = arith.constant 0 : i32
    %c0_i32_0 = arith.constant 0 : i32
    return %arg0, %c1_i32, %arg1, %c0_i32 : i32, i32, i32, i32
  }
  func.func @transform_3(%arg0: i32, %arg1: i32) -> (i32, i32, i32, i32) {
    %c2_i32 = arith.constant 2 : i32
    %c0_i32 = arith.constant 0 : i32
    %c0_i32_0 = arith.constant 0 : i32
    return %arg0, %c2_i32, %arg1, %c0_i32 : i32, i32, i32, i32
  }
  func.func @transform_4(%arg0: i32, %arg1: i32) -> (i32, i32, i32) {
    %c0_i32 = arith.constant 0 : i32
    %c0_i32_0 = arith.constant 0 : i32
    return %arg0, %arg1, %c0_i32 : i32, i32, i32
  }
  func.func @transform_5(%arg0: i32, %arg1: i32) -> (i32, i32, i32) {
    %c0_i32 = arith.constant 0 : i32
    %c0_i32_0 = arith.constant 0 : i32
    return %arg0, %arg1, %c0_i32 : i32, i32, i32
  }
  func.func @transform_6(%arg0: i32, %arg1: i32) -> (i32, i32, i32) {
    %c0_i32 = arith.constant 0 : i32
    %c0_i32_0 = arith.constant 0 : i32
    return %arg0, %arg1, %c0_i32 : i32, i32, i32
  }
}

module attributes {stable_mosaic.version = 14 : i64} {
  func.func @_post_body(%arg0: i32, %arg1: i32, %arg2: memref<1x1024x104xf32, #tpu.memory_space<vmem>>, %arg3: memref<1x1024x104xf32, #tpu.memory_space<vmem>>, %arg4: memref<1x1x196x1024xf32, #tpu.memory_space<vmem>>) attributes {dimension_semantics = [#tpu.dimension_semantics<arbitrary>, #tpu.dimension_semantics<arbitrary>], iteration_bounds = array<i64: 12, 16>, scalar_prefetch = 0 : i64, scratch_operands = 0 : i64, tpu.core_type = #tpu.core_type<tc>, window_params = [{transform_indices = @transform_0, window_bounds = array<i64: 1, 1024, 104>}, {transform_indices = @transform_1, window_bounds = array<i64: 1, 1024, 104>}, {transform_indices = @transform_2, window_bounds = array<i64: 1, 1, 196, 1024>}]} {
    %get3A = arith.constant 0 : index
    %get3A_0 = arith.constant 0 : index
    %get3A_1 = arith.constant 0 : index
    %get3A_2 = vector.load %arg2[%get3A, %get3A_0, %get3A_1] : memref<1x1024x104xf32, #tpu.memory_space<vmem>>, vector<1x1024x104xf32>
    %get3A_3 = vector.shape_cast %get3A_2 : vector<1x1024x104xf32> to vector<1024x104xf32>
    %get3A_4 = arith.constant 0 : index
    %get3A_5 = arith.constant 0 : index
    %get3A_6 = arith.constant 0 : index
    %get3A_7 = vector.load %arg3[%get3A_4, %get3A_5, %get3A_6] : memref<1x1024x104xf32, #tpu.memory_space<vmem>>, vector<1x1024x104xf32>
    %get3A_8 = vector.shape_cast %get3A_7 : vector<1x1024x104xf32> to vector<1024x104xf32>
    %slice3A = vector.extract_strided_slice %get3A_8 {offsets = [0, 92], sizes = [1024, 1], strides = [1, 1]} : vector<1024x104xf32> to vector<1024x1xf32>
    %max3A = arith.constant 9.99999997E-7 : f32
    %max3A_9 = vector.broadcast %max3A : f32 to vector<1024x1xf32>
    %max3A_10 = arith.maximumf %slice3A, %max3A_9 : vector<1024x1xf32>
    %div3A = vector.broadcast %max3A_10 : vector<1024x1xf32> to vector<1024x104xf32>
    %div3A_11 = arith.divf %get3A_3, %div3A : vector<1024x104xf32>
    %transpose3A = tpu.transpose %div3A_11, [1, 0] : vector<1024x104xf32> -> vector<104x1024xf32>
    %slice3A_12 = vector.extract_strided_slice %get3A_8 {offsets = [0, 0], sizes = [1024, 96], strides = [1, 1]} : vector<1024x104xf32> to vector<1024x96xf32>
    %div3A_13 = vector.broadcast %max3A_10 : vector<1024x1xf32> to vector<1024x96xf32>
    %div3A_14 = arith.divf %slice3A_12, %div3A_13 : vector<1024x96xf32>
    %transpose3A_15 = tpu.transpose %div3A_14, [1, 0] : vector<1024x96xf32> -> vector<96x1024xf32>
    %slice3A_16 = vector.extract_strided_slice %transpose3A_15 {offsets = [0, 0], sizes = [92, 1024], strides = [1, 1]} : vector<96x1024xf32> to vector<92x1024xf32>
    %concatenate3A = tpu.concatenate %transpose3A, %slice3A_16 in 0 : vector<104x1024xf32>, vector<92x1024xf32> -> vector<196x1024xf32>
    %swap3A = arith.constant 0 : index
    %swap3A_17 = arith.constant 0 : index
    %swap3A_18 = arith.constant 0 : index
    %swap3A_19 = arith.constant 0 : index
    %swap3A_20 = vector.load %arg4[%swap3A, %swap3A_17, %swap3A_18, %swap3A_19] : memref<1x1x196x1024xf32, #tpu.memory_space<vmem>>, vector<1x1x196x1024xf32>
    %swap3A_21 = vector.shape_cast %swap3A_20 : vector<1x1x196x1024xf32> to vector<196x1024xf32>
    %swap3A_22 = vector.shape_cast %concatenate3A : vector<196x1024xf32> to vector<1x1x196x1024xf32>
    tpu.vector_store %arg4[%swap3A, %swap3A_17, %swap3A_18, %swap3A_19], %swap3A_22 {strides = array<i32>} : memref<1x1x196x1024xf32, #tpu.memory_space<vmem>>, vector<1x1x196x1024xf32>,
    return
  }
  func.func @transform_0(%arg0: i32, %arg1: i32) -> (i32, i32, i32) {
    %c0_i32 = arith.constant 0 : i32
    %c0_i32_0 = arith.constant 0 : i32
    return %arg0, %arg1, %c0_i32 : i32, i32, i32
  }
  func.func @transform_1(%arg0: i32, %arg1: i32) -> (i32, i32, i32) {
    %c0_i32 = arith.constant 0 : i32
    %c0_i32_0 = arith.constant 0 : i32
    return %arg0, %arg1, %c0_i32 : i32, i32, i32
  }
  func.func @transform_2(%arg0: i32, %arg1: i32) -> (i32, i32, i32, i32) {
    %c0_i32 = arith.constant 0 : i32
    %c0_i32_0 = arith.constant 0 : i32
    %c0_i32_1 = arith.constant 0 : i32
    return %arg0, %c0_i32, %c0_i32_0, %arg1 : i32, i32, i32, i32
  }
}

</mosaic_0001>

<sc_bundles>
// kernel: kernel.6.cloned.1.call-start
scs
__scs_entry_jumppad:
0x0: {  	(pc) =	sbr.rel $0x88, $3  }
0x1: {  	(tag) =	ssettag $0x0;
	lr =	simm.s32 $0x1  }
0x2: {  	[smem:$0x3F9F] =	sst lr;
	_ =	strace $0xD0000000  }
0x3: {  	_ = 	snop  }
0x4: {  	_ = 	snop  }
0x5: {  	_ = 	snop  }
0x6: {  	_ = 	snop  }
0x7: {  	_ = 	snop  }
__scs_overlays_trampoline_lowered:
0x8: {  	[smem:$0x3FAE] =	sst s0  }
0x9: {  	[smem:$0x3FAF] =	sst s1  }
0xa: {  	[smem:$0x3FB0] =	sst s2  }
0xb: {  	[smem:$0x3FB1] =	sst s3  }
0xc: {  	[smem:$0x3FB2] =	sst s4  }
0xd: {  	[smem:$0x3FB3] =	sst s5  }
0xe: {  	[smem:$0x3FB4] =	sst s6  }
0xf: {  	[smem:$0x3FB5] =	sst s7  }
0x10: {  	[smem:$0x3FB6] =	sst s8  }
0x11: {  	[smem:$0x3FB7] =	sst s9;
	s0 =	simm.s32 @!p0 $0x0  }
0x12: {  	s1 =	sld [smem:$0x3F9D];
	s0 =	simm.s32 @p0 $0x1  }
0x13: {  	[smem:$0x3FB8] =	sst s0;
	s0 =	simm.s32 @!p1 $0x0  }
0x14: {  	s2 =	sld [smem:$0x3F9C];
	s0 =	simm.s32 @p1 $0x1  }
0x15: {  	[smem:$0x3FB9] =	sst s0;
	s0 =	simm.s32 @!p2 $0x0  }
0x16: {  	s3 =	sld [smem:$0x3FDB];
	s0 =	simm.s32 @p2 $0x1  }
0x17: {  	s4 =	simm.s32 $0x1BF5;
	[smem:$0x3FBB] =	sst s0  }
0x18: {  	s0 =	sld [smem:$0x3F9E];
	_ =	swait.ge [sflag:s4], $0x0  }
0x19: {  	s7 =	sld [smem:$0x3F9F]  }
0x1a: {  	s8 =	sadd.s32 $0xFFFFE003, lr  }
0x1b: {  	s9 =	sadd.s32 $0xFFFFFEF7, lr;
	s5 =	simm.s32 $0xFFFFFFFF;
	p2 =	slt.u32 s8, $0xFFFFF086  }
0x1c: {  	p1 =	slt.u32 s9, $0xF7A;
	s5 =	simm.s32 @!p2 $0x0  }
0x1d: {  	s5 =	simm.s32 @p1 $0x1;
	p0 =	seq.s32 s7, s2  }
0x1e: {  	s7 =	smul.u32 @!p0 $0xF7A, s2;
	p2 =	seq.s32 @!p0 s5, $0x0  }
0x1f: {  	s9 =	smul.u32 $0xF7A, s1;
	s8 =	simm.s32 @!p0 $0x1BF5;
	p2 =	por !p2, p0  }
0x20: {  	[sflag:s8] =	ssyncset.s32 @!p0 $0xFFFFF086;
	s6 =	sadd.s32 @!p0 s3, s7;
	s7 =	simm.s32 @!p0 $0x108  }
0x21: {  	s3 =	sadd.s32 s3, s9;
	s6 =	sadd.s32 @!p0 $0x88, s6;
	s7 =	simm.s32 @p2 $0x1082  }
0x22: {  	[simem:s7], [sflag:s8] =	dma.local @!p0 [hbm:s6], $0xF7A  }
0x23: {  	s9 =	sor.u32 $0xD0000000, s2;
	s6 =	simm.s32 $0x108;
	_ =	swait.ge @!p0 [sflag:s8], $0x0  }
0x24: {  	s3 =	sadd.s32 $0x88, s3;
	s6 =	simm.s32 @!p1 $0x1082;
	[sflag:s4] =	ssyncset.s32 $0xFFFFF086  }
0x25: {  	[simem:s6], [sflag:s4] =	dma.local [hbm:s3], $0xF7A  }
0x26: {  	[smem:$0x3F9F] =	sst s1;
	(tag) =	ssettag s2;
	_ =	strace s9  }
0x27: {  	s1 =	sld [smem:$0x3FAF]  }
0x28: {  	s2 =	sld [smem:$0x3FB0]  }
0x29: {  	s4 =	sld [smem:$0x3FB2]  }
0x2a: {  	p0 =	seq.s32 s5, $0x0;
	s5 =	sld [smem:$0x3FB3]  }
0x2b: {  	s6 =	sld [smem:$0x3FB4]  }
0x2c: {  	s7 =	sld [smem:$0x3FB5]  }
0x2d: {  	s3 =	simm.s32 $0x108;
	s8 =	sld [smem:$0x3FB6]  }
0x2e: {  	s3 =	simm.s32 @!p0 $0x1082;
	s9 =	sld [smem:$0x3FB7]  }
0x2f: {  	lr =	sadd.s32 s0, s3;
	s0 =	sld [smem:$0x3FAE]  }
0x30: {  	s3 =	sld [smem:$0x3FB1]  }
0x31: {  	[smem:$0x3FBA] =	sst s10  }
0x32: {  	s10 =	sld [smem:$0x3FB8];
	_ =	sdelay $0x3  }
0x33: {  	p0 =	seq.s32 s10, $0x1;
	s10 =	sld [smem:$0x3FBA];
	_ =	sdelay $0x3  }
0x34: {  	[smem:$0x3FBA] =	sst s10  }
0x35: {  	s10 =	sld [smem:$0x3FB9];
	_ =	sdelay $0x3  }
0x36: {  	p1 =	seq.s32 s10, $0x1;
	s10 =	sld [smem:$0x3FBA];
	_ =	sdelay $0x3  }
0x37: {  	[smem:$0x3FBA] =	sst s10  }
0x38: {  	s10 =	sld [smem:$0x3FBB]  }
0x39: {  	_ = 	snop;
	(pc) =	sbr.ind lr, $3  }
0x3a: {  	_ = 	snop  }
0x3b: {  	_ = 	snop  }
0x3c: {  	p2 =	seq.s32 s10, $0x1;
	s10 =	sld [smem:$0x3FBA]  }
0x3d: {  	_ =	shalt  }
0x3e: {  	_ =	shalt  }
0x3f: {  	_ =	shalt  }
0x40: {  	_ =	shalt  }
0x41: {  	_ =	shalt  }
0x42: {  	_ =	shalt  }
0x43: {  	_ =	shalt  }
0x44: {  	_ =	shalt  }
0x45: {  	_ =	shalt  }
0x46: {  	_ =	shalt  }
0x47: {  	_ =	shalt  }
0x48: {  	_ =	shalt  }
0x49: {  	_ =	shalt  }
0x4a: {  	_ =	shalt  }
0x4b: {  	_ =	shalt  }
0x4c: {  	_ =	shalt  }
0x4d: {  	_ =	shalt  }
0x4e: {  	_ =	shalt  }
0x4f: {  	_ =	shalt  }
0x50: {  	_ =	shalt  }
0x51: {  	_ =	shalt  }
0x52: {  	_ =	shalt  }
0x53: {  	_ =	shalt  }
0x54: {  	_ =	shalt  }
0x55: {  	_ =	shalt  }
0x56: {  	_ =	shalt  }
0x57: {  	_ =	shalt  }
0x58: {  	_ =	shalt  }
0x59: {  	_ =	shalt  }
0x5a: {  	_ =	shalt  }
0x5b: {  	_ =	shalt  }
0x5c: {  	_ =	shalt  }
0x5d: {  	_ =	shalt  }
0x5e: {  	_ =	shalt  }
0x5f: {  	_ =	shalt  }
0x60: {  	_ =	shalt  }
0x61: {  	_ =	shalt  }
0x62: {  	_ =	shalt  }
0x63: {  	_ =	shalt  }
0x64: {  	_ =	shalt  }
0x65: {  	_ =	shalt  }
0x66: {  	_ =	shalt  }
0x67: {  	_ =	shalt  }
0x68: {  	_ =	shalt  }
0x69: {  	_ =	shalt  }
0x6a: {  	_ =	shalt  }
0x6b: {  	_ =	shalt  }
0x6c: {  	_ =	shalt  }
0x6d: {  	_ =	shalt  }
0x6e: {  	_ =	shalt  }
0x6f: {  	_ =	shalt  }
0x70: {  	_ =	shalt  }
0x71: {  	_ =	shalt  }
0x72: {  	_ =	shalt  }
0x73: {  	_ =	shalt  }
0x74: {  	_ =	shalt  }
0x75: {  	_ =	shalt  }
0x76: {  	_ =	shalt  }
0x77: {  	_ =	shalt  }
0x78: {  	_ =	shalt  }
0x79: {  	_ =	shalt  }
0x7a: {  	_ =	shalt  }
0x7b: {  	_ =	shalt  }
0x7c: {  	_ =	shalt  }
0x7d: {  	_ =	shalt  }
0x7e: {  	_ =	shalt  }
0x7f: {  	_ =	shalt  }
0x80: {  	_ =	shalt  }
0x81: {  	_ =	shalt  }
0x82: {  	_ =	shalt  }
0x83: {  	_ =	shalt  }
0x84: {  	_ =	shalt  }
0x85: {  	_ =	shalt  }
0x86: {  	_ =	shalt  }
0x87: {  	_ =	shalt  }
.Lfunc_end0:
.L_simem_size_0:
called_computation.1_lowered:
.L_overlay_start_0:
0x88: {  	s2 =	sld [smem:$0x3FD9]  }
0x89: {  	s3 =	sld [smem:$0x3FFE];
	_ =	sdelay $0x1  }
0x8a: {  	s1 =	srdreg.scid  }
0x8b: {  	s0 =	sand.u32 $0x1, s1  }
0x8c: {  	s17 =	sshll.u32 s0, $0xA;
	s2 =	sadd.s32 s3, s2  }
0x8d: {  	s2 =	sadd.s32 s2, s17  }
0x8e: {  	[smem:$0x3FC6] =	sst s2  }
0x8f: {  	_ = 	snop  }
0x90: {  	s2 =	sld [smem:$0x3FD0];
	(tm) =	ssettm $0x1  }
0x91: {  	s18 =	sld [smem:$0x3FFB];
	_ =	sdelay $0x3  }
0x92: {  	_ =	strace s18  }
0x93: {  	s3 =	sld [smem:$0x3FFC];
	_ =	sdelay $0x3  }
0x94: {  	_ =	strace s3  }
0x95: {  	s3 =	sld [smem:$0x3FFD];
	_ =	sdelay $0x3  }
0x96: {  	_ =	strace s3  }
0x97: {  	_ =	strace $0x8FFFFFFF  }
0x98: {  	s19 =	sld [smem:$0x3FDB];
	_ =	sdelay $0x1  }
0x99: {  	s4 =	simm.s32 $_scs_section_size  }
0x9a: {  	s5 =	simm.s32 $_size__tile_overlayer_lowered;
	s6 =	simm.s32 $_tile_overlayer_lowered  }
0x9b: {  	s22 =	simm.s32 $0x1BFF;
	s21 =	sshll.u32 s6, $0x1;
	s3 =	sadd.s32 s4, s19  }
0x9c: {  	s7 =	simm.s32 $0x0;
	s20 =	sshll.u32 s5, $0x1;
	s5 =	sadd.s32 s21, s3  }
0x9d: {  	[timem:s7], [sflag:s22] =	dma.local [hbm:s5], s20  }
0x9e: {  	_ =	swait.ge [sflag:s22], s20  }
0x9f: {  	s4 =	ssub.s32 $0x0, s20;
	[sflag:s22] =	ssyncset.done $0x0  }
0xa0: {  	[sflag:s22] =	ssyncadd.s32 s4;
	_ =	sdelay $0x1  }
0xa1: {  	s23 =	simm.s32 $0x1B8B  }
0xa2: {  	_ =	swait.ge [sflag:s23], $0x1  }
0xa3: {  	[sflag:s23] =	ssyncset.done $0x0  }
0xa4: {  	s25 =	simm.s32 $0x1B8E;
	s24 =	sld [smem:$0x3FFE];
	[sflag:s23] =	ssyncadd.s32 $0xFFFFFFFF  }
0xa5: {  	s26 =	simm.s32 $execute0_lowered;
	[smem:$0x3FD2] =	sst s25  }
0xa6: {  	s5 =	sshll.u32 s26, $0x1;
	_ =	strace $0x80000049;
	[dreg:$0x1] =	wrdreg $0xFFFFFFFF  }
0xa7: {  	s28 =	simm.s32 $_size_execute0_lowered;
	s3 =	sadd.s32 s3, s5;
	[dreg:$0x0] =	wrdreg $0x0  }
0xa8: {  	s5 =	sshll.u32 s28, $0x1;
	[dreg:$0x2] =	wrdreg s3  }
0xa9: {  	[dreg:$0x3] =	wrdreg s5  }
0xaa: {  	[dreg:$0x4] =	wrdreg $0xC0  }
0xab: {  	_ =	task [dreg:s7], $0x5FFFF  }
0xac: {  	[dreg:$0x1] =	wrdreg $0xFFFFFFFF  }
0xad: {  	[dreg:$0x0] =	wrdreg $0x60  }
0xae: {  	[dreg:$0x2] =	wrdreg s24  }
0xaf: {  	[dreg:$0x3] =	wrdreg s2  }
0xb0: {  	[dreg:$0x4] =	wrdreg $0x0  }
0xb1: {  	[dreg:$0x5] =	wrdreg $0x9  }
0xb2: {  	_ =	task.clear_ibuf [dreg:s7], $0x6FFFF;
	_ =	strace $0x90000049  }
0xb3: {  	s29 =	simm.s32 $0x9;
	_ =	strace $0x8000004B  }
0xb4: {  	_ =	swait.ge [sflag:s29], $0x1  }
0xb5: {  	[sflag:s29] =	ssyncadd.s32 $0xFFFFFFFF  }
0xb6: {  	_ =	strace $0x9000004B  }
0xb7: {  	_ =	sfence  }
0xb8: {  	s30 =	sld [smem:$0x0];
	_ =	sdelay $0x2  }
0xb9: {  	s31 =	sshll.u32 s1, $0xD;
	s1 =	sshrl.u32 s1, $0x2  }
0xba: {  	s3 =	sand.u32 $0x4000, s31;
	s1 =	sadd.s32 s1, s30  }
0xbb: {  	s0 =	sor.u32 s3, s0;
	s1 =	sshll.u32 s1, $0x11  }
0xbc: {  	s0 =	sor.u32 s1, s0  }
0xbd: {  	s0 =	sadd.s32 $0x8F2B, s0  }
0xbe: {  	[sflag:s0] =	ssyncadd.remote.s32 $0x1  }
0xbf: {  	_ =	sfence.sel $0xFFFF  }
0xc0: {  	[dreg:$0x0] =	wrdreg $0xFFFFFFFF;
	(pc) =	sbr.abs _section_cstart, $3  }
0xc1: {  	[dreg:$0x1] =	wrdreg $0xFFFFFFFF  }
0xc2: {  	_ =	task.clear_ibuf [dreg:s7], $0x2FFFF;
	_ =	strace $0x9FFFFFFF  }
0xc3: {  	(tm) =	ssettm $0x7FFFFFFF  }
tec
execute0_lowered:
.L_overlay_start_1:
0x0: {  	(tag) =	ssettag $0x1  }
0x1: {  	s0 =	rddreg [dreg:$0x0]  }
0x2: {  	s2 =	rddreg [dreg:$0x1]  }
0x3: {  	s1 =	rddreg [dreg:$0x2]  }
0x4: {  	s3 =	simm.s32 $0x0;
	s4 =	srdreg.scid;
	s12 =	stileid.u32  }
0x5: {  	s28 =	simm.s32 $0x2;
	s29 =	simm.s32 $0x1AF80;
	s30 =	simm.s32 $0x1AFC0  }
0x6: {  	[smem:$0x7FF] =	sst s3;
	s6 =	sand.u32 $0x1, s4;
	s4 =	sadd.s32 $0x1800, s0  }
0x7: {  	s5 =	sshll.u32 s12, $0x9;
	s10 =	smul.u32 $0x1A000, s12;
	s31 =	sshll.u32 s12, $0x6  }
0x8: {  	_ =	strace $0x8000004A;
	s7 =	ssub.s32 $0x2, s6;
	s9 =	sadd.s32 s5, s0  }
0x9: {  	s5 =	sadd.s32 $0x681800, s0;
	s11 =	smul.u32 $0x1380000, s6;
	s8 =	sshrl.u32 s7, $0x1  }
0xa: {  	s13 =	sadd.s32 $0xE91A00, s9;
	s15 =	sadd.s32 s10, s1;
	s19 =	sshrl.u32 s10, $0x3  }
0xb: {  	s20 =	sadd.s32 $0xE89A00, s9;
	s18 =	ssub.s32 s7, s8;
	s7 =	smul.u32 $0x1A00000, s6  }
0xc: {  	s22 =	sadd.s32 $0xE81A00, s9;
	s8 =	smul.u32 $0x68000, s12;
	[dreg:$0x5] =	wrdreg s20  }
0xd: {  	s11 =	sadd.s32 s11, s10;
	s10 =	sadd.s32 s2, s19;
	[dreg:$0x7] =	wrdreg s22  }
0xe: {  	s19 =	sor.u32 $0x1C04, s31;
	[dreg:$0x4] =	wrdreg s13;
	s21 =	sadd.s32 $0x1A0000, s11  }
0xf: {  	s20 =	sshrl.u32 s15, $0x3;
	s23 =	sadd.s32 $0x340000, s11;
	[dreg:$0x6] =	wrdreg s21  }
0x10: {  	s22 =	simm.s32 $0x3;
	s0 =	smax.u32 s18, $0x1;
	[dreg:$0x8] =	wrdreg s23  }
0x11: {  	s14 =	smov.u32 s11;
	s24 =	sadd.s32 s8, s7;
	[dreg:$0x9] =	wrdreg s0  }
0x12: {  	s16 =	sadd.s32 $0x66600, s8;
	s21 =	simm.s32 $0x4;
	s25 =	sor.u32 $0x3400, s24  }
0x13: {  	s23 =	simm.s32 $0x1B000;
	s2 =	sor.u32 $0x1A00, s24;
	s0 =	sshrl.u32 s25, $0x3  }
0x14: {  	s24 =	simm.s32 $0x1CA00;
	s2 =	sshrl.u32 s2, $0x3;
	s0 =	sadd.s32 s0, s4  }
0x15: {  	s25 =	simm.s32 $0x1;
	s26 =	sadd.s32 s2, s4;
	[dreg:$0xa] =	wrdreg s0  }
0x16: {  	s2 =	simm.s32 $0x0;
	[dreg:$0xb] =	wrdreg s26;
	s26 =	simm.s32 $0x40  }
.LBB2_1:
0x17: {  	[dreg:$0xc] =	wrdreg s2  }
0x18: {  	s2 =	rddreg [dreg:$0xb]  }
0x19: {  	s17 =	rddreg [dreg:$0xa];
	s15 =	simm.s32 $0x0  }
.LBB2_2:
0x1a: {  	s0 =	sshll.u32 s15, $0xD  }
0x1b: {  	s6 =	simm.s32 $0x0;
	s9 =	simm.s32 $0x1A000;
	s0 =	sadd.s32 s0, s13  }
0x1c: {  	[tilespmem:s9], [sflag:$0x3] =	stream.linear.gather [hbm4b:s0+s6], $0x1000, $0x38;
	[tilespmem:$0x1E400] =	vst v63  }
0x1d: {  	[spmem:s20], [sflag:s19] =	dma.local [hbm:s10], $0x3400  }
0x1e: {  	_ =	swait.ge [sflag:s21], $0x3400  }
0x1f: {  	s18 =	smul.u32 $0x680000, s15;
	[sflag:s21] =	ssyncset.done $0x0  }
0x20: {  	[sflag:s21] =	ssyncadd.s32 $0xFFFFCC00  }
0x21: {  	s0 =	sadd.s32 s7, s18;
	_ =	swait.ge [sflag:s22], $0x1000  }
0x22: {  	s18 =	sadd.s32 s8, s0;
	[sflag:s22] =	ssyncset.done $0x0  }
0x23: {  	s18 =	sshrl.u32 s18, $0x3;
	[sflag:s22] =	ssyncadd.s32 $0xFFFFF000  }
0x24: {  	s18 =	sadd.s32 s4, s18;
	[bflag:$0x0] =	sbarrier.arrive $0xFFFF  }
0x25: {  	[tilespmem:s23], [sflag:$0x1] =	stream.linear.gather [hbm4b:s18+s6], $0x1A00, $0x38;
	[tilespmem:$0x1E400] =	vst v63  }
0x26: {  	s11 =	sadd.s32 $0x0, s2  }
0x27: {  	[tilespmem:s24], [sflag:$0x2] =	stream.linear.gather [hbm4b:s11+s3], $0x1A00, $0x38;
	[tilespmem:$0x1E400] =	vst v63  }
0x28: {  	_ =	swait.ge [sflag:s25], $0x1A00  }
0x29: {  	[sflag:s25] =	ssyncset.done $0x0  }
0x2a: {  	[sflag:s25] =	ssyncadd.s32 $0xFFFFE600  }
0x2b: {  	[spmem:s1] =	stream.indirect.scatter.add.f32 [tilespmem:s23], [sflag:$0x4], $0x68, s9, s26, $0xb8;
	[tilespmem:$0x1E400] =	vst v63  }
0x2c: {  	_ =	swait.ge [sflag:s21], $0x1A00  }
0x2d: {  	[sflag:s21] =	ssyncset.done $0x0  }
0x2e: {  	s12 =	sadd.s32 $0x0, s17;
	[sflag:s21] =	ssyncadd.s32 $0xFFFFE600  }
0x2f: {  	[tilespmem:s23], [sflag:$0x1] =	stream.linear.gather [hbm4b:s12+s3], $0x1A00, $0x38;
	[tilespmem:$0x1E400] =	vst v63  }
0x30: {  	_ =	swait.ge [sflag:s28], $0x1A00  }
0x31: {  	[sflag:s28] =	ssyncset.done $0x0  }
0x32: {  	s18 =	simm.s32 $0x1A040;
	[sflag:s28] =	ssyncadd.s32 $0xFFFFE600  }
0x33: {  	[spmem:s1] =	stream.indirect.scatter.add.f32 [tilespmem:s24], [sflag:$0x4], $0x68, s18, s26, $0xb8;
	[tilespmem:$0x1E400] =	vst v63  }
0x34: {  	s31 =	simm.s32 $0x680;
	_ =	swait.ge [sflag:s21], $0x1A00  }
0x35: {  	s6 =	simm.s32 $0xD00;
	s18 =	simm.s32 $0x1A080;
	[sflag:s21] =	ssyncset.done $0x0  }
.LBB2_3:
0x36: {  	s9 =	sadd.s32 s31, s2  }
0x37: {  	[sflag:s21] =	ssyncadd.s32 $0xFFFFE600;
	s11 =	smov.u32 s6;
	s12 =	sadd.s32 $0x680, s6  }
0x38: {  	[tilespmem:s24], [sflag:$0x2] =	stream.linear.gather [hbm4b:s9+s3], $0x1A00, $0x38;
	[tilespmem:$0x1E400] =	vst v63  }
0x39: {  	p0 =	sne.s32 s6, $0xC300;
	_ =	swait.ge [sflag:s25], $0x1A00  }
0x3a: {  	[sflag:s25] =	ssyncset.done $0x0  }
0x3b: {  	[sflag:s25] =	ssyncadd.s32 $0xFFFFE600  }
0x3c: {  	[spmem:s1] =	stream.indirect.scatter.add.f32 [tilespmem:s23], [sflag:$0x4], $0x68, s18, s26, $0xb8;
	[tilespmem:$0x1E400] =	vst v63  }
0x3d: {  	_ =	swait.ge [sflag:s21], $0x1A00  }
0x3e: {  	[sflag:s21] =	ssyncset.done $0x0  }
0x3f: {  	s6 =	sadd.s32 s31, s17;
	s31 =	smov.u32 s11;
	[sflag:s21] =	ssyncadd.s32 $0xFFFFE600  }
0x40: {  	[tilespmem:s23], [sflag:$0x1] =	stream.linear.gather [hbm4b:s6+s3], $0x1A00, $0x38;
	[tilespmem:$0x1E400] =	vst v63  }
0x41: {  	_ =	swait.ge [sflag:s28], $0x1A00  }
.Ltmp0:
0x42: {  	[sflag:s28] =	ssyncset.done $0x0;
	(pc) =	sbr.rel @p0 .LBB2_3-.Ltmp0, $4  }
0x43: {  	s6 =	sadd.s32 $0x40, s18;
	[sflag:s28] =	ssyncadd.s32 $0xFFFFE600  }
0x44: {  	[spmem:s1] =	stream.indirect.scatter.add.f32 [tilespmem:s24], [sflag:$0x4], $0x68, s6, s26, $0xb8;
	[tilespmem:$0x1E400] =	vst v63  }
0x45: {  	_ =	swait.ge [sflag:s21], $0x1A00  }
0x46: {  	s18 =	sadd.s32 $0x80, s18;
	s6 =	smov.u32 s12;
	[sflag:s21] =	ssyncset.done $0x0  }
0x47: {  	s6 =	sadd.s32 s31, s2;
	[sflag:s21] =	ssyncadd.s32 $0xFFFFE600  }
0x48: {  	[tilespmem:s24], [sflag:$0x2] =	stream.linear.gather [hbm4b:s6+s3], $0x1A00, $0x38;
	[tilespmem:$0x1E400] =	vst v63  }
0x49: {  	_ =	swait.ge [sflag:s25], $0x1A00  }
0x4a: {  	[sflag:s25] =	ssyncset.done $0x0  }
0x4b: {  	[sflag:s25] =	ssyncadd.s32 $0xFFFFE600  }
0x4c: {  	[spmem:s1] =	stream.indirect.scatter.add.f32 [tilespmem:s23], [sflag:$0x4], $0x68, s18, s26, $0xb8;
	[tilespmem:$0x1E400] =	vst v63  }
0x4d: {  	_ =	swait.ge [sflag:s21], $0x1A00  }
0x4e: {  	[sflag:s21] =	ssyncset.done $0x0  }
0x4f: {  	s11 =	sadd.s32 s31, s17;
	[sflag:s21] =	ssyncadd.s32 $0xFFFFE600  }
0x50: {  	[tilespmem:s23], [sflag:$0x1] =	stream.linear.gather [hbm4b:s11+s3], $0x1A00, $0x38;
	[tilespmem:$0x1E400] =	vst v63  }
0x51: {  	_ =	swait.ge [sflag:s28], $0x1A00  }
0x52: {  	[sflag:s28] =	ssyncset.done $0x0  }
0x53: {  	s12 =	sadd.s32 $0x40, s18;
	[sflag:s28] =	ssyncadd.s32 $0xFFFFE600  }
0x54: {  	[spmem:s1] =	stream.indirect.scatter.add.f32 [tilespmem:s24], [sflag:$0x4], $0x68, s12, s26, $0xb8;
	[tilespmem:$0x1E400] =	vst v63  }
0x55: {  	s0 =	sadd.s32 s0, s16;
	_ =	swait.ge [sflag:s21], $0x1A00  }
0x56: {  	s0 =	sshrl.u32 s0, $0x3;
	[sflag:s21] =	ssyncset.done $0x0  }
0x57: {  	s18 =	sadd.s32 s4, s0;
	s0 =	simm.s32 $0x0;
	[sflag:s21] =	ssyncadd.s32 $0xFFFFE600  }
0x58: {  	[tilespmem:s24], [sflag:$0x2] =	stream.linear.gather [hbm4b:s18+s0], $0x1A00, $0x38;
	[tilespmem:$0x1E400] =	vst v63  }
0x59: {  	_ =	swait.ge [sflag:s25], $0x1A00  }
0x5a: {  	[sflag:s25] =	ssyncset.done $0x0  }
0x5b: {  	[sflag:s25] =	ssyncadd.s32 $0xFFFFE600  }
0x5c: {  	[spmem:s1] =	stream.indirect.scatter.add.f32 [tilespmem:s23], [sflag:$0x4], $0x68, s29, s26, $0xb8;
	[tilespmem:$0x1E400] =	vst v63  }
0x5d: {  	_ =	swait.ge [sflag:s21], $0x1A00  }
0x5e: {  	[sflag:s21] =	ssyncset.done $0x0  }
0x5f: {  	[sflag:s21] =	ssyncadd.s32 $0xFFFFE600  }
0x60: {  	_ =	swait.ge [sflag:s28], $0x1A00  }
0x61: {  	[sflag:s28] =	ssyncset.done $0x0  }
0x62: {  	s31 =	smul.u32 $0x4E0000, s15;
	[sflag:s28] =	ssyncadd.s32 $0xFFFFE600  }
0x63: {  	[spmem:s1] =	stream.indirect.scatter.add.f32 [tilespmem:s24], [sflag:$0x4], $0x68, s30, s26, $0xb8;
	[tilespmem:$0x1E400] =	vst v63  }
0x64: {  	_ =	swait.ge [sflag:s21], $0x1A00  }
0x65: {  	s15 =	sadd.s32 $0x1, s15;
	s6 =	sadd.s32 s31, s14;
	[sflag:s21] =	ssyncset.done $0x0  }
0x66: {  	p0 =	sne.s32 s15, $0x4;
	s6 =	sshrl.u32 s6, $0x3;
	[sflag:s21] =	ssyncadd.s32 $0xFFFFE600  }
.Ltmp1:
0x67: {  	s6 =	sadd.s32 s5, s6;
	[bflag:$0x0] =	sbarrier.arrive $0xFFFF;
	(pc) =	sbr.rel @p0 .LBB2_2-.Ltmp1, $4  }
0x68: {  	[hbm:s6], [sflag:s19] =	dma.local [spmem:s20], $0x3400  }
0x69: {  	_ =	swait.ge [sflag:s21], $0x3400  }
0x6a: {  	[sflag:s21] =	ssyncset.done $0x0  }
0x6b: {  	s17 =	sadd.s32 $0xD0000, s17;
	s2 =	sadd.s32 $0xD0000, s2;
	[sflag:s21] =	ssyncadd.s32 $0xFFFFCC00  }
0x6c: {  	s17 =	rddreg [dreg:$0xb]  }
0x6d: {  	s15 =	rddreg [dreg:$0xa];
	s18 =	simm.s32 $0x0  }
.LBB2_6:
0x6e: {  	s2 =	sshll.u32 s18, $0xD;
	s6 =	rddreg [dreg:$0x5]  }
0x6f: {  	s13 =	simm.s32 $0x1A000;
	s2 =	sadd.s32 s2, s6  }
0x70: {  	[tilespmem:s13], [sflag:$0x3] =	stream.linear.gather [hbm4b:s2+s0], $0x1000, $0x38;
	[tilespmem:$0x1E400] =	vst v63  }
0x71: {  	[spmem:s20], [sflag:s19] =	dma.local [hbm:s10], $0x3400  }
0x72: {  	_ =	swait.ge [sflag:s21], $0x3400  }
0x73: {  	s9 =	smul.u32 $0x680000, s18;
	[sflag:s21] =	ssyncset.done $0x0  }
0x74: {  	[sflag:s21] =	ssyncadd.s32 $0xFFFFCC00  }
0x75: {  	s2 =	sadd.s32 s7, s9;
	_ =	swait.ge [sflag:s22], $0x1000  }
0x76: {  	s9 =	sadd.s32 s8, s2;
	[sflag:s22] =	ssyncset.done $0x0  }
0x77: {  	s9 =	sshrl.u32 s9, $0x3;
	[sflag:s22] =	ssyncadd.s32 $0xFFFFF000  }
0x78: {  	s9 =	sadd.s32 s4, s9;
	[bflag:$0x0] =	sbarrier.arrive $0xFFFF  }
0x79: {  	[tilespmem:s23], [sflag:$0x1] =	stream.linear.gather [hbm4b:s9+s0], $0x1A00, $0x38;
	[tilespmem:$0x1E400] =	vst v63  }
0x7a: {  	s11 =	sadd.s32 $0x0, s17  }
0x7b: {  	[tilespmem:s24], [sflag:$0x2] =	stream.linear.gather [hbm4b:s11+s3], $0x1A00, $0x38;
	[tilespmem:$0x1E400] =	vst v63  }
0x7c: {  	_ =	swait.ge [sflag:s25], $0x1A00  }
0x7d: {  	[sflag:s25] =	ssyncset.done $0x0  }
0x7e: {  	[sflag:s25] =	ssyncadd.s32 $0xFFFFE600  }
0x7f: {  	[spmem:s1] =	stream.indirect.scatter.add.f32 [tilespmem:s23], [sflag:$0x4], $0x68, s13, s26, $0xb8;
	[tilespmem:$0x1E400] =	vst v63  }
0x80: {  	_ =	swait.ge [sflag:s21], $0x1A00  }
0x81: {  	[sflag:s21] =	ssyncset.done $0x0  }
0x82: {  	s12 =	sadd.s32 $0x0, s15;
	[sflag:s21] =	ssyncadd.s32 $0xFFFFE600  }
0x83: {  	[tilespmem:s23], [sflag:$0x1] =	stream.linear.gather [hbm4b:s12+s3], $0x1A00, $0x38;
	[tilespmem:$0x1E400] =	vst v63  }
0x84: {  	_ =	swait.ge [sflag:s28], $0x1A00  }
0x85: {  	[sflag:s28] =	ssyncset.done $0x0  }
0x86: {  	s13 =	simm.s32 $0x1A040;
	[sflag:s28] =	ssyncadd.s32 $0xFFFFE600  }
0x87: {  	[spmem:s1] =	stream.indirect.scatter.add.f32 [tilespmem:s24], [sflag:$0x4], $0x68, s13, s26, $0xb8;
	[tilespmem:$0x1E400] =	vst v63  }
0x88: {  	s31 =	simm.s32 $0x1A080;
	_ =	swait.ge [sflag:s21], $0x1A00  }
0x89: {  	s6 =	simm.s32 $0x680;
	s9 =	simm.s32 $0xD00;
	[sflag:s21] =	ssyncset.done $0x0  }
.LBB2_7:
0x8a: {  	s11 =	sadd.s32 s6, s17  }
0x8b: {  	[sflag:s21] =	ssyncadd.s32 $0xFFFFE600;
	s12 =	smov.u32 s9;
	s13 =	sadd.s32 $0x680, s9  }
0x8c: {  	[tilespmem:s24], [sflag:$0x2] =	stream.linear.gather [hbm4b:s11+s3], $0x1A00, $0x38;
	[tilespmem:$0x1E400] =	vst v63  }
0x8d: {  	p0 =	sne.s32 s9, $0xC300;
	_ =	swait.ge [sflag:s25], $0x1A00  }
0x8e: {  	[sflag:s25] =	ssyncset.done $0x0  }
0x8f: {  	[sflag:s25] =	ssyncadd.s32 $0xFFFFE600  }
0x90: {  	[spmem:s1] =	stream.indirect.scatter.add.f32 [tilespmem:s23], [sflag:$0x4], $0x68, s31, s26, $0xb8;
	[tilespmem:$0x1E400] =	vst v63  }
0x91: {  	_ =	swait.ge [sflag:s21], $0x1A00  }
0x92: {  	[sflag:s21] =	ssyncset.done $0x0  }
0x93: {  	s9 =	sadd.s32 s6, s15;
	s6 =	smov.u32 s12;
	[sflag:s21] =	ssyncadd.s32 $0xFFFFE600  }
0x94: {  	[tilespmem:s23], [sflag:$0x1] =	stream.linear.gather [hbm4b:s9+s3], $0x1A00, $0x38;
	[tilespmem:$0x1E400] =	vst v63  }
0x95: {  	_ =	swait.ge [sflag:s28], $0x1A00  }
.Ltmp2:
0x96: {  	[sflag:s28] =	ssyncset.done $0x0;
	(pc) =	sbr.rel @p0 .LBB2_7-.Ltmp2, $4  }
0x97: {  	s9 =	sadd.s32 $0x40, s31;
	[sflag:s28] =	ssyncadd.s32 $0xFFFFE600  }
0x98: {  	[spmem:s1] =	stream.indirect.scatter.add.f32 [tilespmem:s24], [sflag:$0x4], $0x68, s9, s26, $0xb8;
	[tilespmem:$0x1E400] =	vst v63  }
0x99: {  	_ =	swait.ge [sflag:s21], $0x1A00  }
0x9a: {  	s31 =	sadd.s32 $0x80, s31;
	s9 =	smov.u32 s13;
	[sflag:s21] =	ssyncset.done $0x0  }
0x9b: {  	s9 =	sadd.s32 s6, s17;
	[sflag:s21] =	ssyncadd.s32 $0xFFFFE600  }
0x9c: {  	[tilespmem:s24], [sflag:$0x2] =	stream.linear.gather [hbm4b:s9+s3], $0x1A00, $0x38;
	[tilespmem:$0x1E400] =	vst v63  }
0x9d: {  	_ =	swait.ge [sflag:s25], $0x1A00  }
0x9e: {  	[sflag:s25] =	ssyncset.done $0x0  }
0x9f: {  	[sflag:s25] =	ssyncadd.s32 $0xFFFFE600  }
0xa0: {  	[spmem:s1] =	stream.indirect.scatter.add.f32 [tilespmem:s23], [sflag:$0x4], $0x68, s31, s26, $0xb8;
	[tilespmem:$0x1E400] =	vst v63  }
0xa1: {  	_ =	swait.ge [sflag:s21], $0x1A00  }
0xa2: {  	[sflag:s21] =	ssyncset.done $0x0  }
0xa3: {  	s9 =	sadd.s32 s6, s15;
	[sflag:s21] =	ssyncadd.s32 $0xFFFFE600  }
0xa4: {  	[tilespmem:s23], [sflag:$0x1] =	stream.linear.gather [hbm4b:s9+s3], $0x1A00, $0x38;
	[tilespmem:$0x1E400] =	vst v63  }
0xa5: {  	_ =	swait.ge [sflag:s28], $0x1A00  }
0xa6: {  	[sflag:s28] =	ssyncset.done $0x0  }
0xa7: {  	s11 =	sadd.s32 $0x40, s31;
	[sflag:s28] =	ssyncadd.s32 $0xFFFFE600  }
0xa8: {  	[spmem:s1] =	stream.indirect.scatter.add.f32 [tilespmem:s24], [sflag:$0x4], $0x68, s11, s26, $0xb8;
	[tilespmem:$0x1E400] =	vst v63  }
0xa9: {  	s2 =	sadd.s32 s2, s16;
	_ =	swait.ge [sflag:s21], $0x1A00  }
0xaa: {  	s2 =	sshrl.u32 s2, $0x3;
	[sflag:s21] =	ssyncset.done $0x0  }
0xab: {  	s12 =	sadd.s32 s4, s2;
	s2 =	simm.s32 $0x0;
	[sflag:s21] =	ssyncadd.s32 $0xFFFFE600  }
0xac: {  	[tilespmem:s24], [sflag:$0x2] =	stream.linear.gather [hbm4b:s12+s2], $0x1A00, $0x38;
	[tilespmem:$0x1E400] =	vst v63  }
0xad: {  	_ =	swait.ge [sflag:s25], $0x1A00  }
0xae: {  	[sflag:s25] =	ssyncset.done $0x0  }
0xaf: {  	[sflag:s25] =	ssyncadd.s32 $0xFFFFE600  }
0xb0: {  	[spmem:s1] =	stream.indirect.scatter.add.f32 [tilespmem:s23], [sflag:$0x4], $0x68, s29, s26, $0xb8;
	[tilespmem:$0x1E400] =	vst v63  }
0xb1: {  	_ =	swait.ge [sflag:s21], $0x1A00  }
0xb2: {  	[sflag:s21] =	ssyncset.done $0x0  }
0xb3: {  	[sflag:s21] =	ssyncadd.s32 $0xFFFFE600  }
0xb4: {  	_ =	swait.ge [sflag:s28], $0x1A00  }
0xb5: {  	[sflag:s28] =	ssyncset.done $0x0  }
0xb6: {  	[sflag:s28] =	ssyncadd.s32 $0xFFFFE600  }
0xb7: {  	[spmem:s1] =	stream.indirect.scatter.add.f32 [tilespmem:s24], [sflag:$0x4], $0x68, s30, s26, $0xb8;
	[tilespmem:$0x1E400] =	vst v63  }
0xb8: {  	s13 =	smul.u32 $0x4E0000, s18;
	_ =	swait.ge [sflag:s21], $0x1A00  }
0xb9: {  	s31 =	rddreg [dreg:$0x6]  }
0xba: {  	s18 =	sadd.s32 $0x1, s18;
	[sflag:s21] =	ssyncset.done $0x0;
	s6 =	sadd.s32 s13, s31  }
0xbb: {  	p0 =	sne.s32 s18, $0x4;
	[sflag:s21] =	ssyncadd.s32 $0xFFFFE600;
	s6 =	sshrl.u32 s6, $0x3  }
.Ltmp3:
0xbc: {  	[bflag:$0x0] =	sbarrier.arrive $0xFFFF;
	s6 =	sadd.s32 s5, s6;
	(pc) =	sbr.rel @p0 .LBB2_6-.Ltmp3, $4  }
0xbd: {  	[hbm:s6], [sflag:s19] =	dma.local [spmem:s20], $0x3400  }
0xbe: {  	_ =	swait.ge [sflag:s21], $0x3400  }
0xbf: {  	[sflag:s21] =	ssyncset.done $0x0  }
0xc0: {  	s17 =	sadd.s32 $0xD0000, s17;
	s15 =	sadd.s32 $0xD0000, s15;
	[sflag:s21] =	ssyncadd.s32 $0xFFFFCC00  }
0xc1: {  	s0 =	rddreg [dreg:$0xb]  }
0xc2: {  	s15 =	rddreg [dreg:$0xa];
	s17 =	simm.s32 $0x0  }
.LBB2_10:
0xc3: {  	s6 =	sshll.u32 s17, $0xD;
	s9 =	rddreg [dreg:$0x7]  }
0xc4: {  	s13 =	simm.s32 $0x1A000;
	s6 =	sadd.s32 s6, s9  }
0xc5: {  	[tilespmem:s13], [sflag:$0x3] =	stream.linear.gather [hbm4b:s6+s2], $0x1000, $0x38;
	[tilespmem:$0x1E400] =	vst v63  }
0xc6: {  	[spmem:s20], [sflag:s19] =	dma.local [hbm:s10], $0x3400  }
0xc7: {  	_ =	swait.ge [sflag:s21], $0x3400  }
0xc8: {  	s18 =	smul.u32 $0x680000, s17;
	[sflag:s21] =	ssyncset.done $0x0  }
0xc9: {  	[sflag:s21] =	ssyncadd.s32 $0xFFFFCC00  }
0xca: {  	s18 =	sadd.s32 s7, s18;
	_ =	swait.ge [sflag:s22], $0x1000  }
0xcb: {  	s6 =	sadd.s32 s8, s18;
	[sflag:s22] =	ssyncset.done $0x0  }
0xcc: {  	s6 =	sshrl.u32 s6, $0x3;
	[sflag:s22] =	ssyncadd.s32 $0xFFFFF000  }
0xcd: {  	s6 =	sadd.s32 s4, s6;
	[bflag:$0x0] =	sbarrier.arrive $0xFFFF  }
0xce: {  	[tilespmem:s23], [sflag:$0x1] =	stream.linear.gather [hbm4b:s6+s2], $0x1A00, $0x38;
	[tilespmem:$0x1E400] =	vst v63  }
0xcf: {  	s11 =	sadd.s32 $0x0, s0  }
0xd0: {  	[tilespmem:s24], [sflag:$0x2] =	stream.linear.gather [hbm4b:s11+s3], $0x1A00, $0x38;
	[tilespmem:$0x1E400] =	vst v63  }
0xd1: {  	_ =	swait.ge [sflag:s25], $0x1A00  }
0xd2: {  	[sflag:s25] =	ssyncset.done $0x0  }
0xd3: {  	[sflag:s25] =	ssyncadd.s32 $0xFFFFE600  }
0xd4: {  	[spmem:s1] =	stream.indirect.scatter.add.f32 [tilespmem:s23], [sflag:$0x4], $0x68, s13, s26, $0xb8;
	[tilespmem:$0x1E400] =	vst v63  }
0xd5: {  	_ =	swait.ge [sflag:s21], $0x1A00  }
0xd6: {  	[sflag:s21] =	ssyncset.done $0x0  }
0xd7: {  	s12 =	sadd.s32 $0x0, s15;
	[sflag:s21] =	ssyncadd.s32 $0xFFFFE600  }
0xd8: {  	[tilespmem:s23], [sflag:$0x1] =	stream.linear.gather [hbm4b:s12+s3], $0x1A00, $0x38;
	[tilespmem:$0x1E400] =	vst v63  }
0xd9: {  	_ =	swait.ge [sflag:s28], $0x1A00  }
0xda: {  	[sflag:s28] =	ssyncset.done $0x0  }
0xdb: {  	s13 =	simm.s32 $0x1A040;
	[sflag:s28] =	ssyncadd.s32 $0xFFFFE600  }
0xdc: {  	[spmem:s1] =	stream.indirect.scatter.add.f32 [tilespmem:s24], [sflag:$0x4], $0x68, s13, s26, $0xb8;
	[tilespmem:$0x1E400] =	vst v63  }
0xdd: {  	s31 =	simm.s32 $0x1A080;
	_ =	swait.ge [sflag:s21], $0x1A00  }
0xde: {  	s9 =	simm.s32 $0xD00;
	s6 =	simm.s32 $0x680;
	[sflag:s21] =	ssyncset.done $0x0  }
.LBB2_11:
0xdf: {  	s11 =	sadd.s32 s6, s0  }
0xe0: {  	[sflag:s21] =	ssyncadd.s32 $0xFFFFE600;
	s12 =	smov.u32 s9;
	s13 =	sadd.s32 $0x680, s9  }
0xe1: {  	[tilespmem:s24], [sflag:$0x2] =	stream.linear.gather [hbm4b:s11+s3], $0x1A00, $0x38;
	[tilespmem:$0x1E400] =	vst v63  }
0xe2: {  	p0 =	sne.s32 s9, $0xC300;
	_ =	swait.ge [sflag:s25], $0x1A00  }
0xe3: {  	[sflag:s25] =	ssyncset.done $0x0  }
0xe4: {  	[sflag:s25] =	ssyncadd.s32 $0xFFFFE600  }
0xe5: {  	[spmem:s1] =	stream.indirect.scatter.add.f32 [tilespmem:s23], [sflag:$0x4], $0x68, s31, s26, $0xb8;
	[tilespmem:$0x1E400] =	vst v63  }
0xe6: {  	_ =	swait.ge [sflag:s21], $0x1A00  }
0xe7: {  	[sflag:s21] =	ssyncset.done $0x0  }
0xe8: {  	s9 =	sadd.s32 s6, s15;
	s6 =	smov.u32 s12;
	[sflag:s21] =	ssyncadd.s32 $0xFFFFE600  }
0xe9: {  	[tilespmem:s23], [sflag:$0x1] =	stream.linear.gather [hbm4b:s9+s3], $0x1A00, $0x38;
	[tilespmem:$0x1E400] =	vst v63  }
0xea: {  	_ =	swait.ge [sflag:s28], $0x1A00  }
.Ltmp4:
0xeb: {  	[sflag:s28] =	ssyncset.done $0x0;
	(pc) =	sbr.rel @p0 .LBB2_11-.Ltmp4, $4  }
0xec: {  	s9 =	sadd.s32 $0x40, s31;
	[sflag:s28] =	ssyncadd.s32 $0xFFFFE600  }
0xed: {  	[spmem:s1] =	stream.indirect.scatter.add.f32 [tilespmem:s24], [sflag:$0x4], $0x68, s9, s26, $0xb8;
	[tilespmem:$0x1E400] =	vst v63  }
0xee: {  	_ =	swait.ge [sflag:s21], $0x1A00  }
0xef: {  	s31 =	sadd.s32 $0x80, s31;
	s9 =	smov.u32 s13;
	[sflag:s21] =	ssyncset.done $0x0  }
0xf0: {  	s9 =	sadd.s32 s6, s0;
	[sflag:s21] =	ssyncadd.s32 $0xFFFFE600  }
0xf1: {  	[tilespmem:s24], [sflag:$0x2] =	stream.linear.gather [hbm4b:s9+s3], $0x1A00, $0x38;
	[tilespmem:$0x1E400] =	vst v63  }
0xf2: {  	_ =	swait.ge [sflag:s25], $0x1A00  }
0xf3: {  	[sflag:s25] =	ssyncset.done $0x0  }
0xf4: {  	[sflag:s25] =	ssyncadd.s32 $0xFFFFE600  }
0xf5: {  	[spmem:s1] =	stream.indirect.scatter.add.f32 [tilespmem:s23], [sflag:$0x4], $0x68, s31, s26, $0xb8;
	[tilespmem:$0x1E400] =	vst v63  }
0xf6: {  	_ =	swait.ge [sflag:s21], $0x1A00  }
0xf7: {  	[sflag:s21] =	ssyncset.done $0x0  }
0xf8: {  	s11 =	sadd.s32 s6, s15;
	[sflag:s21] =	ssyncadd.s32 $0xFFFFE600  }
0xf9: {  	[tilespmem:s23], [sflag:$0x1] =	stream.linear.gather [hbm4b:s11+s3], $0x1A00, $0x38;
	[tilespmem:$0x1E400] =	vst v63  }
0xfa: {  	_ =	swait.ge [sflag:s28], $0x1A00  }
0xfb: {  	[sflag:s28] =	ssyncset.done $0x0  }
0xfc: {  	s12 =	sadd.s32 $0x40, s31;
	[sflag:s28] =	ssyncadd.s32 $0xFFFFE600  }
0xfd: {  	[spmem:s1] =	stream.indirect.scatter.add.f32 [tilespmem:s24], [sflag:$0x4], $0x68, s12, s26, $0xb8;
	[tilespmem:$0x1E400] =	vst v63  }
0xfe: {  	s13 =	sadd.s32 s18, s16;
	_ =	swait.ge [sflag:s21], $0x1A00  }
0xff: {  	s6 =	sshrl.u32 s13, $0x3;
	[sflag:s21] =	ssyncset.done $0x0  }
0x100: {  	s6 =	sadd.s32 s4, s6;
	[sflag:s21] =	ssyncadd.s32 $0xFFFFE600  }
0x101: {  	[tilespmem:s24], [sflag:$0x2] =	stream.linear.gather [hbm4b:s6+s3], $0x1A00, $0x38;
	[tilespmem:$0x1E400] =	vst v63  }
0x102: {  	_ =	swait.ge [sflag:s25], $0x1A00  }
0x103: {  	[sflag:s25] =	ssyncset.done $0x0  }
0x104: {  	[sflag:s25] =	ssyncadd.s32 $0xFFFFE600  }
0x105: {  	[spmem:s1] =	stream.indirect.scatter.add.f32 [tilespmem:s23], [sflag:$0x4], $0x68, s29, s26, $0xb8;
	[tilespmem:$0x1E400] =	vst v63  }
0x106: {  	_ =	swait.ge [sflag:s21], $0x1A00  }
0x107: {  	[sflag:s21] =	ssyncset.done $0x0  }
0x108: {  	[sflag:s21] =	ssyncadd.s32 $0xFFFFE600  }
0x109: {  	_ =	swait.ge [sflag:s28], $0x1A00  }
0x10a: {  	[sflag:s28] =	ssyncset.done $0x0  }
0x10b: {  	[sflag:s28] =	ssyncadd.s32 $0xFFFFE600  }
0x10c: {  	[spmem:s1] =	stream.indirect.scatter.add.f32 [tilespmem:s24], [sflag:$0x4], $0x68, s30, s26, $0xb8;
	[tilespmem:$0x1E400] =	vst v63  }
0x10d: {  	s18 =	smul.u32 $0x4E0000, s17;
	_ =	swait.ge [sflag:s21], $0x1A00  }
0x10e: {  	s31 =	rddreg [dreg:$0x8]  }
0x10f: {  	s17 =	sadd.s32 $0x1, s17;
	[sflag:s21] =	ssyncset.done $0x0;
	s6 =	sadd.s32 s18, s31  }
0x110: {  	p0 =	sne.s32 s17, $0x4;
	[sflag:s21] =	ssyncadd.s32 $0xFFFFE600;
	s6 =	sshrl.u32 s6, $0x3  }
.Ltmp5:
0x111: {  	[bflag:$0x0] =	sbarrier.arrive $0xFFFF;
	s6 =	sadd.s32 s5, s6;
	(pc) =	sbr.rel @p0 .LBB2_10-.Ltmp5, $4  }
0x112: {  	[hbm:s6], [sflag:s19] =	dma.local [spmem:s20], $0x3400  }
0x113: {  	_ =	swait.ge [sflag:s21], $0x3400  }
0x114: {  	[sflag:s21] =	ssyncset.done $0x0  }
0x115: {  	s15 =	sadd.s32 $0xD0000, s15;
	s0 =	sadd.s32 $0xD0000, s0;
	[sflag:s21] =	ssyncadd.s32 $0xFFFFCC00  }
0x116: {  	s2 =	rddreg [dreg:$0xc]  }
0x117: {  	s0 =	rddreg [dreg:$0x9];
	s2 =	sadd.s32 $0x1, s2  }
0x118: {  	p0 =	sne.s32 s2, s0  }
.Ltmp6:
0x119: {  	_ = 	snop;
	(pc) =	sbr.rel @p0 .LBB2_1-.Ltmp6, $2  }
0x11a: {  	_ =	sdelay $0x2  }
0x11b: {  	s13 =	rddreg [dreg:$0x4]  }
0x11c: {  	_ =	sfence.sel $0x180000  }
0x11d: {  	[bflag:$0x0] =	sbarrier.arrive $0xFFFF  }
0x11e: {  	_ =	strace $0x9000004A  }
0x11f: {  	s0 =	stileid.u32;
	[bflag:$0x2] =	sbarrier.arrive $0xFFFF  }
0x120: {  	p0 =	sne.s32 s0, $0x0;
	s0 =	rddreg [dreg:$0x3]  }
0x121: {  	s0 =	sadd.s32 @!p0 $0x100000, s0  }
0x122: {  	[sflag:s0] =	ssyncadd.tile.s32 @!p0 $0x1;
	_ =	shalt  }
.Lfunc_end2:
_tile_overlayer_lowered:
.L_overlay_start_2:
0x123: {  	(tag) =	ssettag $0x2  }
0x124: {  	s0 =	rddreg [dreg:$0x0];
	s2 =	stileid.u32  }
0x125: {  	s1 =	rddreg [dreg:$0x1];
	p0 =	sne.s32 s2, $0x0  }
0x126: {  	s3 =	rddreg [dreg:$0x2];
	[bflag:$0x3] =	sbarrier.arrive $0xFFFF;
	s2 =	simm.s32 @!p0 $0x1C04  }
0x127: {  	[timem:s3], [sflag:s2] =	dma.local @!p0 [hbm:s0], s1  }
0x128: {  	s0 =	simm.s32 @!p0 $0x4  }
0x129: {  	_ =	swait.ge @!p0 [sflag:s0], s1  }
0x12a: {  	s1 =	ssub.s32 @!p0 $0x0, s1;
	[sflag:s0] =	ssyncset.done @!p0 $0x0  }
0x12b: {  	[sflag:s0] =	ssyncadd.s32 @!p0 s1  }
0x12c: {  	[bflag:$0x3] =	sbarrier.arrive $0xFFFF  }
0x12d: {  	_ =	shalt  }

// kernel: sparse-core-data-format-call.cloned.1.call-start
scs
called_computation_lowered:
.L_overlay_start_0:
0x0: {  	s1 =	sld [smem:$0x3FD9]  }
0x1: {  	s2 =	sld [smem:$0x3FFE];
	_ =	sdelay $0x1  }
0x2: {  	s3 =	srdreg.scid  }
0x3: {  	s0 =	sand.u32 $0x1, s3  }
0x4: {  	s17 =	sshll.u32 s0, $0xA;
	s1 =	sadd.s32 s2, s1  }
0x5: {  	s1 =	sadd.s32 s1, s17  }
0x6: {  	[smem:$0x3FC6] =	sst s1  }
0x7: {  	_ = 	snop  }
0x8: {  	(tm) =	ssettm $0x1  }
0x9: {  	s18 =	sld [smem:$0x3FFB];
	_ =	sdelay $0x3  }
0xa: {  	_ =	strace s18  }
0xb: {  	s1 =	sld [smem:$0x3FFC];
	_ =	sdelay $0x3  }
0xc: {  	_ =	strace s1  }
0xd: {  	s1 =	sld [smem:$0x3FFD];
	_ =	sdelay $0x3  }
0xe: {  	_ =	strace s1  }
0xf: {  	_ =	strace $0x8FFFFFFF  }
0x10: {  	s19 =	sld [smem:$0x3FDB];
	_ =	sdelay $0x1  }
0x11: {  	s20 =	simm.s32 $_scs_section_size  }
0x12: {  	s4 =	simm.s32 $_size__tile_overlayer_lowered;
	s5 =	simm.s32 $_tile_overlayer_lowered  }
0x13: {  	s23 =	simm.s32 $0x1BFF;
	s22 =	sshll.u32 s5, $0x1;
	s1 =	sadd.s32 s20, s19  }
0x14: {  	s6 =	simm.s32 $0x0;
	s21 =	sshll.u32 s4, $0x1;
	s4 =	sadd.s32 s22, s1  }
0x15: {  	[timem:s6], [sflag:s23] =	dma.local [hbm:s4], s21  }
0x16: {  	_ =	swait.ge [sflag:s23], s21  }
0x17: {  	s2 =	ssub.s32 $0x0, s21;
	[sflag:s23] =	ssyncset.done $0x0  }
0x18: {  	[sflag:s23] =	ssyncadd.s32 s2;
	_ =	sdelay $0x1  }
0x19: {  	s24 =	simm.s32 $0x1B8B  }
0x1a: {  	_ =	swait.ge [sflag:s24], $0x1  }
0x1b: {  	[sflag:s24] =	ssyncset.done $0x0  }
0x1c: {  	s26 =	simm.s32 $0x1B8E;
	s25 =	sld [smem:$0x3FFE];
	[sflag:s24] =	ssyncadd.s32 $0xFFFFFFFF  }
0x1d: {  	s27 =	simm.s32 $execute0_lowered;
	[smem:$0x3FD2] =	sst s26  }
0x1e: {  	s4 =	sshll.u32 s27, $0x1;
	_ =	strace $0x80000046;
	[dreg:$0x1] =	wrdreg $0xFFFFFFFF  }
0x1f: {  	s28 =	simm.s32 $_size_execute0_lowered;
	s1 =	sadd.s32 s1, s4;
	[dreg:$0x0] =	wrdreg $0x0  }
0x20: {  	s4 =	sshll.u32 s28, $0x1;
	[dreg:$0x2] =	wrdreg s1  }
0x21: {  	[dreg:$0x3] =	wrdreg s4  }
0x22: {  	[dreg:$0x4] =	wrdreg $0xC0  }
0x23: {  	_ =	task [dreg:s6], $0x5FFFF  }
0x24: {  	[dreg:$0x1] =	wrdreg $0xFFFFFFFF  }
0x25: {  	[dreg:$0x0] =	wrdreg $0x60  }
0x26: {  	[dreg:$0x2] =	wrdreg s25  }
0x27: {  	[dreg:$0x3] =	wrdreg $0x9  }
0x28: {  	_ =	task.clear_ibuf [dreg:s6], $0x4FFFF;
	_ =	strace $0x90000046  }
0x29: {  	s29 =	simm.s32 $0x9;
	_ =	strace $0x80000048  }
0x2a: {  	_ =	swait.ge [sflag:s29], $0x1  }
0x2b: {  	[sflag:s29] =	ssyncadd.s32 $0xFFFFFFFF  }
0x2c: {  	_ =	strace $0x90000048  }
0x2d: {  	_ =	sfence  }
0x2e: {  	s30 =	sld [smem:$0x0];
	_ =	sdelay $0x2  }
0x2f: {  	s31 =	sshll.u32 s3, $0xD;
	s3 =	sshrl.u32 s3, $0x2  }
0x30: {  	s2 =	sand.u32 $0x4000, s31;
	s1 =	sadd.s32 s3, s30  }
0x31: {  	s0 =	sor.u32 s2, s0;
	s1 =	sshll.u32 s1, $0x11  }
0x32: {  	s0 =	sor.u32 s1, s0  }
0x33: {  	s0 =	sadd.s32 $0x8F2B, s0  }
0x34: {  	[sflag:s0] =	ssyncadd.remote.s32 $0x1  }
0x35: {  	_ =	sfence.sel $0xFFFF  }
0x36: {  	[dreg:$0x0] =	wrdreg $0xFFFFFFFF;
	(pc) =	sbr.abs _section_cstart, $3  }
0x37: {  	[dreg:$0x1] =	wrdreg $0xFFFFFFFF  }
0x38: {  	_ =	task.clear_ibuf [dreg:s6], $0x2FFFF;
	_ =	strace $0x9FFFFFFF  }
0x39: {  	(tm) =	ssettm $0x7FFFFFFF  }
tec
execute0_lowered:
.L_overlay_start_1:
0x0: {  	(tag) =	ssettag $0x1  }
0x1: {  	s4 =	rddreg [dreg:$0x0]  }
0x2: {  	s0 =	rddreg [dreg:$0x1]  }
0x3: {  	s1 =	stileid.u32;
	s2 =	srdreg.scid;
	_ =	strace $0x80000047  }
0x4: {  	s31 =	simm.s32 $0x2;
	s20 =	simm.s32 $0x0;
	p0 =	por $0x0, $0x0  }
0x5: {  	s10 =	simm.s32 $0x10000;
	s18 =	simm.s32 $0x0;
	s17 =	simm.s32 $0x0  }
0x6: {  	s19 =	simm.s32 $0x0;
	s21 =	simm.s32 $0x0;
	s11 =	simm.s32 $0x0  }
0x7: {  	s13 =	simm.s32 $0x0;
	s16 =	simm.s32 $0x0;
	s3 =	sshll.u32 s2, $0x4  }
0x8: {  	s5 =	sshrl.u32 s1, $0x2;
	s2 =	sadd.s32 $0x1A00, s4;
	s4 =	sadd.s32 $0x681A00, s4  }
0x9: {  	s6 =	sand.u32 $0x10, s3;
	s3 =	sand.u32 $0x1, s5;
	s5 =	sand.u32 $0x3, s1  }
.Ltmp0:
0xa: {  	s6 =	sor.u32 s1, s6;
	s7 =	ssub.s32 $0x2, s3;
	(pc) =	sbr.rel .LBB1_1-.Ltmp0, $4  }
0xb: {  	s14 =	smov.u32 s3;
	s8 =	sshrl.u32 s7, $0x1;
	s9 =	sand.u32 $0x1, s7  }
0xc: {  	s15 =	smov.u32 s5;
	s7 =	simm.s32 $0x1;
	s8 =	sadd.s32 s9, s8  }
0xd: {  	s6 =	sshrl.u32 s6, $0x3;
	[sflag:s7] =	ssyncpa.u1 $0x0;
	s8 =	sshll.u32 s8, $0x7  }
0xe: {  	s12 =	smov.u32 s6;
	[sflag:s31] =	ssyncpa.u1 $0x0;
	s9 =	sor.u32 $0x1, s8  }
.LBB1_6:
0xf: {  	v5 =	vld [tilespmem:s24+$0xFFFFFFD0];
	[tilespmem:s25+$0x2040 ss:$0x81] =	vst.msk $0xffff, v1  }
0x10: {  	v58 =	vld [tilespmem:s24+$0xFFFFFFE0];
	[tilespmem:s25+$0x2850 ss:$0x81] =	vst.msk $0xffff, v2  }
0x11: {  	s26 =	sshra.s32 s26, $0x2;
	v59 =	vld [tilespmem:s24+$0xFFFFFFF0];
	[tilespmem:s25+$0x3060 ss:$0x81] =	vst.msk $0xffff, v3  }
0x12: {  	v60 =	vld [tilespmem:s24+$0x0];
	[tilespmem:s25+$0x0 ss:$0x81] =	vst.msk $0xffff, v0;
	s23 =	sadd.s32 s26, s23  }
0x13: {  	v61 =	vld [tilespmem:s24+$0x10];
	s20 =	sshll.u32 s20, $0x7;
	[tilespmem:s23+$0x3870 ss:$0x81] =	vst.msk $0xffff, v4  }
0x14: {  	s30 =	sshll.u32 s17, $0x3;
	v62 =	vld [tilespmem:s24+$0x20];
	s21 =	sshll.u32 s21, $0x14;
	s19 =	sshll.u32 s19, $0x16;
	[tilespmem:s23+$0x810 ss:$0x81] =	vst.msk $0xffff, v5  }
0x15: {  	v63 =	vld [tilespmem:s24+$0xFFFFFFC0];
	s18 =	sshll.u32 s18, $0xE;
	s31 =	sand.u32 $0x1FC00, s20;
	s25 =	sand.u32 $0x1FC00, s30;
	[tilespmem:s23+$0x1020 ss:$0x81] =	vst.msk $0xffff, v58  }
0x16: {  	s20 =	sand.u32 $0x380, s20;
	s21 =	sadd.s32 s4, s21;
	s27 =	sadd.s32 s25, s31;
	[tilespmem:s23+$0x1830 ss:$0x81] =	vst.msk $0xffff, v59  }
0x17: {  	s28 =	sshrl.u32 s17, $0x3;
	s19 =	sadd.s32 s19, s21;
	s20 =	sor.u32 s20, s27;
	[tilespmem:s23+$0x2040 ss:$0x81] =	vst.msk $0xffff, v60  }
0x18: {  	s29 =	sand.u32 $0xF, s28;
	s18 =	sadd.s32 s18, s19;
	s20 =	sshrl.u32 s20, $0x3;
	[tilespmem:s23+$0x2850 ss:$0x81] =	vst.msk $0xffff, v61  }
0x19: {  	s18 =	sadd.s32 s29, s18;
	[tilespmem:s23+$0x3060 ss:$0x81] =	vst.msk $0xffff, v62;
	s30 =	sand.u32 $0x3FF0, s20  }
0x1a: {  	s31 =	sand.u32 $0x7, s17;
	[tilespmem:s23+$0x0 ss:$0x81] =	vst.msk $0xffff, v63;
	s18 =	sadd.s32 s30, s18  }
0x1b: {  	[hbm4b:s18+s31] =	stream.linear.scatter [tilespmem:s22], [sflag:$0x2], $0x4000, $0x20;
	[tilespmem:$0x10100] =	vst v63  }
.LBB1_7:
0x1c: {  	s22 =	sadd.s32 $0x80, s11  }
0x1d: {  	s17 =	sadd.s32 $0x4, s12;
	s23 =	smov.u32 s12;
	p2 =	sgt.s32 s22, $0x3FF  }
0x1e: {  	s23 =	smov.u32 @p2 s17  }
0x1f: {  	s24 =	smov.u32 s13;
	s17 =	sadd.s32 $0x80, s13;
	p3 =	sgt.s32 s23, $0x3F  }
0x20: {  	s24 =	smov.u32 @p3 s17  }
0x21: {  	s25 =	smov.u32 s14;
	s17 =	sadd.s32 $0x2, s14;
	p4 =	sgt.s32 s24, $0x67  }
0x22: {  	p1 =	slt.u32 s16, $0x2;
	s26 =	smov.u32 s15;
	s25 =	smov.u32 @p4 s17  }
0x23: {  	s20 =	smov.u32 s11;
	s17 =	sadd.s32 $0x4, s15;
	p5 =	sgt.s32 s25, $0x1  }
0x24: {  	s18 =	smov.u32 s12;
	s19 =	smov.u32 s14;
	s26 =	smov.u32 @p5 s17  }
0x25: {  	s21 =	smov.u32 s15;
	s22 =	simm.s32 @p2 $0x0;
	p2 =	sgt.s32 s26, $0x3  }
0x26: {  	s27 =	simm.s32 @!p1 $0x2;
	s26 =	smov.u32 @p2 s5;
	p2 =	sne.s32 s16, s9  }
.Ltmp1:
0x27: {  	p0 =	por !p0, !p0;
	_ =	swait.ge @!p1 [sflag:s27], $0x4000;
	(pc) =	sbr.rel @!p2 .LBB1_8-.Ltmp1, $4  }
0x28: {  	[sflag:s27] =	ssyncset.done @!p1 $0x0;
	s11 =	smov.u32 s22;
	s23 =	smov.u32 @p3 s6  }
0x29: {  	[sflag:s27] =	ssyncadd.s32 @!p1 $0xFFFFC000;
	s12 =	smov.u32 s23;
	s24 =	simm.s32 @p4 $0x0  }
0x2a: {  	s25 =	smov.u32 @p5 s3;
	s17 =	smov.u32 s13;
	s13 =	smov.u32 s24  }
0x2b: {  	s14 =	smov.u32 s25;
	s16 =	sadd.s32 $0x1, s16;
	s15 =	smov.u32 s26  }
.LBB1_1:
0x2c: {  	p1 =	sge.u32 s16, s8  }
.Ltmp2:
0x2d: {  	_ = 	snop;
	(pc) =	sbr.rel @p1 .LBB1_3-.Ltmp2, $1  }
0x2e: {  	_ =	sdelay $0x3  }
0x2f: {  	s22 =	sxor.u32 $0xFFFFFFFF, s16;
	p1 =	sgt.s32 s15, $0x3  }
0x30: {  	s23 =	smov.u32 s15;
	s24 =	sshra.s32 s15, $0x1F;
	s25 =	sshra.s32 s14, $0x1F  }
0x31: {  	s29 =	sshra.s32 s13, $0x1F;
	s27 =	sand.u32 $0x78, s11;
	s28 =	sshra.s32 s12, $0x1F  }
0x32: {  	s23 =	simm.s32 @!p1 $0x3;
	s24 =	sand.u32 s24, s15;
	p1 =	sgt.s32 s14, $0x1  }
0x33: {  	s25 =	sand.u32 s25, s14;
	s28 =	sand.u32 s28, s12;
	s22 =	sshll.u32 s22, $0xE  }
0x34: {  	s23 =	ssub.s32 s23, s24;
	s24 =	smov.u32 s14;
	s25 =	sxor.u32 $0xFFFFFFFF, s25  }
0x35: {  	s22 =	sand.u32 $0x4000, s22;
	s26 =	sadd.s32 $0xFFFFFFFD, s23;
	s24 =	simm.s32 @!p1 $0x1  }
0x36: {  	s23 =	ssub.s32 $0x4, s23;
	p1 =	sgt.s32 s26, $0x0;
	s24 =	sadd.s32 s25, s24  }
0x37: {  	s23 =	simm.s32 @p1 $0x0;
	p1 =	sgt.s32 s24, $0x0;
	s24 =	ssub.s32 $0x1, s24  }
0x38: {  	s25 =	smov.u32 s13;
	s24 =	simm.s32 @p1 $0x0;
	p1 =	sgt.s32 s13, $0xFFFFFFE8  }
0x39: {  	s26 =	sand.u32 s29, s13;
	s25 =	simm.s32 @!p1 $0xFFFFFFE8;
	s23 =	smul.u32 s24, s23  }
0x3a: {  	p1 =	sgt.s32 s12, $0x3F;
	s30 =	ssub.s32 s25, s26;
	s25 =	smov.u32 s12  }
0x3b: {  	s26 =	sadd.s32 $0x18, s30;
	s25 =	simm.s32 @!p1 $0x3F;
	s24 =	ssub.s32 $0x68, s30  }
0x3c: {  	s30 =	sshra.s32 s11, $0x1F;
	p1 =	sgt.s32 s26, $0x7F;
	s26 =	sshll.u32 s12, $0x7  }
0x3d: {  	s25 =	ssub.s32 s25, s28;
	s28 =	sand.u32 s30, s11;
	s31 =	sand.u32 $0x380, s26  }
0x3e: {  	s24 =	simm.s32 @p1 $0x0;
	s29 =	sadd.s32 $0xFFFFFFC1, s25;
	s27 =	sor.u32 s27, s31  }
0x3f: {  	s23 =	smul.u32 s24, s23;
	p1 =	sgt.s32 s29, $0x0;
	s24 =	ssub.s32 $0x40, s25  }
0x40: {  	s25 =	smov.u32 s11;
	s24 =	simm.s32 @p1 $0x0;
	p1 =	sgt.s32 s11, $0x380  }
0x41: {  	s30 =	smul.u32 $0x1A0000, s15;
	s27 =	sshrl.u32 s27, $0x3;
	s25 =	simm.s32 @!p1 $0x380  }
0x42: {  	s23 =	smul.u32 s24, s23;
	s31 =	ssub.s32 s25, s28;
	s25 =	sand.u32 $0x1C00, s26  }
0x43: {  	s29 =	sadd.s32 $0xFFFFFC80, s31;
	s24 =	ssub.s32 $0x400, s31;
	s31 =	smul.u32 $0xD0000, s14  }
0x44: {  	s28 =	sadd.s32 s2, s30;
	s30 =	sand.u32 $0x7, s11;
	p1 =	sgt.s32 s29, $0x7F  }
0x45: {  	s29 =	sshll.u32 s13, $0xD;
	s24 =	simm.s32 @p1 $0x0;
	s26 =	sadd.s32 s31, s28  }
0x46: {  	s25 =	sadd.s32 s11, s25;
	s23 =	smul.u32 s24, s23;
	s24 =	sadd.s32 s29, s26  }
0x47: {  	s25 =	sand.u32 $0x1F80, s25;
	s26 =	sshll.u32 s30, $0x12;
	s24 =	sadd.s32 s27, s24  }
0x48: {  	s31 =	sor.u32 $0x80, s26;
	s23 =	sand.u32 $0x3FFFFFFF, s23;
	s24 =	sadd.s32 s25, s24  }
0x49: {  	[tilespmem:s22], [sflag:$0x1] =	stream.strided.gather [hbm4b:s24+s31], s23, s10, s31, $0x38;
	[tilespmem:$0x10100] =	vst v63  }
.LBB1_3:
0x4a: {  	s22 =	sadd.s32 $0xFFFFFFFF, s16  }
0x4b: {  	p1 =	sge.u32 s22, s8  }
.Ltmp3:
0x4c: {  	_ = 	snop;
	(pc) =	sbr.rel @p1 .LBB1_7-.Ltmp3, $1  }
0x4d: {  	_ =	sdelay $0x3  }
0x4e: {  	p1 =	sgt.s32 s21, $0x3;
	s22 =	smov.u32 s21  }
0x4f: {  	s23 =	sshra.s32 s21, $0x1F;
	p2 =	sgt.s32 s19, $0x1;
	s24 =	sshra.s32 s19, $0x1F  }
0x50: {  	s25 =	smov.u32 s17;
	s22 =	simm.s32 @!p1 $0x3;
	s23 =	sand.u32 s23, s21  }
0x51: {  	s26 =	sshra.s32 s17, $0x1F;
	s31 =	sshra.s32 s18, $0x1F;
	s22 =	ssub.s32 s22, s23  }
0x52: {  	s24 =	sand.u32 s24, s19;
	s30 =	sand.u32 s26, s17;
	s23 =	sadd.s32 $0xFFFFFFFD, s22  }
0x53: {  	s26 =	sshra.s32 s20, $0x1F;
	p1 =	sgt.s32 s23, $0x0;
	s23 =	smov.u32 s19  }
0x54: {  	s24 =	sxor.u32 $0xFFFFFFFF, s24;
	s23 =	simm.s32 @!p2 $0x1;
	p2 =	sgt.s32 s17, $0xFFFFFFE8  }
0x55: {  	s22 =	ssub.s32 $0x4, s22;
	s23 =	sadd.s32 s24, s23;
	s25 =	simm.s32 @!p2 $0xFFFFFFE8  }
0x56: {  	p2 =	sgt.s32 s23, $0x0;
	s23 =	ssub.s32 $0x1, s23;
	s24 =	ssub.s32 s25, s30  }
0x57: {  	s22 =	simm.s32 @p1 $0x0;
	s23 =	simm.s32 @p2 $0x0;
	s25 =	sadd.s32 $0x18, s24  }
0x58: {  	s22 =	smul.u32 s23, s22;
	p1 =	sgt.s32 s25, $0x7F;
	s23 =	ssub.s32 $0x68, s24  }
0x59: {  	s24 =	smov.u32 s18;
	s23 =	simm.s32 @p1 $0x0;
	p1 =	sgt.s32 s18, $0x3F  }
0x5a: {  	s25 =	sand.u32 s31, s18;
	s22 =	smul.u32 s23, s22;
	s24 =	simm.s32 @!p1 $0x3F  }
0x5b: {  	p1 =	sgt.s32 s20, $0x380;
	s23 =	ssub.s32 s24, s25;
	s24 =	smov.u32 s20  }
0x5c: {  	s25 =	sand.u32 s26, s20;
	s28 =	sadd.s32 $0xFFFFFFC1, s23;
	s24 =	simm.s32 @!p1 $0x380  }
0x5d: {  	s23 =	ssub.s32 $0x40, s23;
	p1 =	sgt.s32 s28, $0x0;
	s24 =	ssub.s32 s24, s25  }
0x5e: {  	s23 =	simm.s32 @p1 $0x0;
	s25 =	sadd.s32 $0xFFFFFC80, s24  }
0x5f: {  	s22 =	smul.u32 s23, s22;
	p1 =	sgt.s32 s25, $0x7F;
	s23 =	ssub.s32 $0x400, s24  }
0x60: {  	s23 =	simm.s32 @p1 $0x0  }
0x61: {  	s22 =	smul.u32 s23, s22;
	_ =	sdelay $0x1  }
0x62: {  	s23 =	simm.s32 $0x1;
	s22 =	sand.u32 $0x3FFFFFFF, s22  }
0x63: {  	s23 =	simm.s32 @!p0 $0x0;
	_ =	swait.ge [sflag:s7], s22  }
0x64: {  	s29 =	sshll.u32 s23, $0xE;
	s22 =	ssub.s32 $0x0, s22;
	[sflag:s7] =	ssyncset.done $0x0  }
0x65: {  	s24 =	sor.u32 $0x40, s29;
	[sflag:s7] =	ssyncadd.s32 s22  }
0x66: {  	s30 =	smul.u32 $0x10200, s23;
	v0 =	vld [tilespmem:s24+$0x30]  }
0x67: {  	v3 =	vld [tilespmem:s24+$0xFFFFFFD0]  }
0x68: {  	s22 =	sshrl.u32 s30, $0x2;
	v4 =	vld [tilespmem:s24+$0xFFFFFFE0]  }
0x69: {  	s23 =	sor.u32 $0x8000, s22;
	v5 =	vld [tilespmem:s24+$0xFFFFFFF0]  }
0x6a: {  	s31 =	sand.u32 $0x1, s16;
	v1 =	vld [tilespmem:s24+$0x0];
	s25 =	sadd.s32 $0x0, s23  }
0x6b: {  	s22 =	smul.u32 $0x10200, s31;
	v2 =	vld [tilespmem:s24+$0x10];
	[tilespmem:s25+$0x3870 ss:$0x81] =	vst.msk $0xffff, v0  }
0x6c: {  	[tilespmem:s25+$0x810 ss:$0x81] =	vst.msk $0xffff, v3;
	v3 =	vld [tilespmem:s24+$0x20]  }
0x6d: {  	s22 =	sshrl.u32 s22, $0x2;
	v0 =	vld [tilespmem:s24+$0xFFFFFFC0];
	[tilespmem:s25+$0x1020 ss:$0x81] =	vst.msk $0xffff, v4;
	s24 =	sadd.s32 $0x80, s24  }
0x6e: {  	s27 =	simm.s32 $0x8;
	s26 =	simm.s32 $0x4;
	s22 =	sor.u32 $0x8000, s22;
	[tilespmem:s25+$0x1830 ss:$0x81] =	vst.msk $0xffff, v5;
	v4 =	vld [tilespmem:s24+$0x30]  }
.LBB1_5:
0x6f: {  	p1 =	sne.s32 s27, $0x1FC;
	v5 =	vld [tilespmem:s24+$0xFFFFFFD0];
	[tilespmem:s25+$0x2040 ss:$0x81] =	vst.msk $0xffff, v1  }
0x70: {  	v6 =	vld [tilespmem:s24+$0xFFFFFFE0];
	[tilespmem:s25+$0x2850 ss:$0x81] =	vst.msk $0xffff, v2  }
0x71: {  	s28 =	sshra.s32 s26, $0x2;
	s26 =	smov.u32 s27;
	v7 =	vld [tilespmem:s24+$0xFFFFFFF0];
	[tilespmem:s25+$0x3060 ss:$0x81] =	vst.msk $0xffff, v3  }
.Ltmp4:
0x72: {  	v1 =	vld [tilespmem:s24+$0x0];
	[tilespmem:s25+$0x0 ss:$0x81] =	vst.msk $0xffff, v0;
	s25 =	sadd.s32 s28, s23;
	(pc) =	sbr.rel @p1 .LBB1_5-.Ltmp4, $4  }
0x73: {  	v2 =	vld [tilespmem:s24+$0x10];
	[tilespmem:s25+$0x3870 ss:$0x81] =	vst.msk $0xffff, v4  }
0x74: {  	[tilespmem:s25+$0x810 ss:$0x81] =	vst.msk $0xffff, v5;
	v3 =	vld [tilespmem:s24+$0x20]  }
0x75: {  	v0 =	vld [tilespmem:s24+$0xFFFFFFC0];
	[tilespmem:s25+$0x1020 ss:$0x81] =	vst.msk $0xffff, v6;
	s24 =	sadd.s32 $0x80, s24  }
0x76: {  	s27 =	sadd.s32 $0x4, s27;
	v4 =	vld [tilespmem:s24+$0x30];
	[tilespmem:s25+$0x1830 ss:$0x81] =	vst.msk $0xffff, v7  }
.Ltmp5:
0x77: {  	_ = 	snop;
	(pc) =	sbr.rel .LBB1_6-.Ltmp5, $1  }
0x78: {  	_ =	sdelay $0x3  }
.LBB1_8:
0x79: {  	_ =	sfence.sel $0x180000  }
0x7a: {  	s2 =	simm.s32 $0x1;
	[bflag:$0x0] =	sbarrier.arrive $0xFFFF  }
0x7b: {  	s31 =	simm.s32 $0x2;
	[sflag:s2] =	ssyncpa.u1 $0x1  }
0x7c: {  	[sflag:s31] =	ssyncpa.u1 $0x1  }
0x7d: {  	p0 =	sne.s32 s1, $0x0;
	_ =	strace $0x90000047  }
0x7e: {  	s0 =	sadd.s32 @!p0 $0x100000, s0;
	[bflag:$0x2] =	sbarrier.arrive $0xFFFF  }
0x7f: {  	[sflag:s0] =	ssyncadd.tile.s32 @!p0 $0x1;
	_ =	shalt  }
.Lfunc_end1:
_tile_overlayer_lowered:
.L_overlay_start_2:
0x80: {  	(tag) =	ssettag $0x2  }
0x81: {  	s0 =	rddreg [dreg:$0x0];
	s2 =	stileid.u32  }
0x82: {  	s1 =	rddreg [dreg:$0x1];
	p0 =	sne.s32 s2, $0x0  }
0x83: {  	s3 =	rddreg [dreg:$0x2];
	[bflag:$0x3] =	sbarrier.arrive $0xFFFF;
	s2 =	simm.s32 @!p0 $0x1C01  }
0x84: {  	[timem:s3], [sflag:s2] =	dma.local @!p0 [hbm:s0], s1  }
0x85: {  	s0 =	simm.s32 @!p0 $0x1  }
0x86: {  	_ =	swait.ge @!p0 [sflag:s0], s1  }
0x87: {  	s1 =	ssub.s32 @!p0 $0x0, s1;
	[sflag:s0] =	ssyncset.done @!p0 $0x0  }
0x88: {  	[sflag:s0] =	ssyncadd.s32 @!p0 s1  }
0x89: {  	[bflag:$0x3] =	sbarrier.arrive $0xFFFF  }
0x8a: {  	_ =	shalt  }

</sc_bundles>
